<compile_context>
chip_gen: v7x
topology: tpu7x:2x2x1
jax: 0.10.2.dev20260603
libtpu: 0.0.44.dev20260713+nightly
codegen_flags: <defaults>
</compile_context>

<pallas_src>
import functools

import jax
import jax.numpy as jnp
from jax import lax
from jax.experimental import pallas as pl
from jax.experimental.pallas import tpu as pltpu
from jax.experimental.pallas import tpu_sc as plsc


@functools.lru_cache(maxsize=None)
def _make_gather(V, D, S0, S1, C, NBUF):
    B = S0 * S1
    info = plsc.get_sparse_core_info()
    nc, ns = info.num_cores, info.num_subcores
    nw = nc * ns
    assert B % nw == 0
    b_per_w = B // nw
    assert b_per_w % (C * NBUF) == 0
    assert C == S1
    n_chunks = b_per_w // C
    n_outer = n_chunks // NBUF

    mesh = plsc.VectorSubcoreMesh(core_axis_name="c", subcore_axis_name="s")

    @functools.partial(
        pl.kernel,
        out_type=jax.ShapeDtypeStruct((B, 2 * D), jnp.float32),
        mesh=mesh,
        scratch_types=[
            pltpu.VMEM((b_per_w,), jnp.int32),
            pltpu.VMEM((NBUF, C, D), jnp.float32),
            pltpu.SemaphoreType.DMA((NBUF,)),
            pltpu.SemaphoreType.DMA((NBUF,)),
        ],
        compiler_params=pltpu.CompilerParams(use_tc_tiling_on_sc=False),
    )
    def k(table, idx_hbm, out_hbm, idx_v, rows, gsem, wsem):
        wid = lax.axis_index("s") * nc + lax.axis_index("c")
        base = wid * b_per_w
        pltpu.sync_copy(idx_hbm.at[pl.ds(base, b_per_w)], idx_v)

        def gather_start(j, b):
            pltpu.async_copy(
                table.at[idx_v.at[pl.ds(j * C, C)]], rows.at[b], gsem.at[b]
            )

        def gather_wait(b):
            pltpu.make_async_copy(
                table.at[idx_v.at[pl.ds(0, C)]], rows.at[b], gsem.at[b]
            ).wait()

        def write_start(j, b):
            pltpu.async_copy(
                rows.at[b],
                out_hbm.at[pl.ds(base + j * C, C), pl.ds(0, D)],
                wsem.at[b],
            )

        def write_wait(b):
            pltpu.make_async_copy(
                rows.at[b], out_hbm.at[pl.ds(base, C), pl.ds(0, D)], wsem.at[b]
            ).wait()

        for b in range(NBUF):
            gather_start(b, b)

        def body(i, carry):
            for b in range(NBUF):
                j = i * NBUF + b
                gather_wait(b)
                write_start(j, b)
                write_wait(b)
                gather_start(j + NBUF, b)
            return carry

        lax.fori_loop(0, n_outer - 1, body, 0)

        for b in range(NBUF):
            j = (n_outer - 1) * NBUF + b
            gather_wait(b)
            write_start(j, b)
            write_wait(b)

    return k


def kernel(x, lut_weight):
    S0, S1 = x.shape
    V, D = lut_weight.shape
    B = S0 * S1
    idx = x.reshape(B).astype(jnp.int32)
    out = _make_gather(V, D, S0, S1, S1, 8)(lut_weight, idx)
    return out[:, :D].reshape(S0, S1, D)

# --- scband reference (transcript-rebuilt; emitter-appended) ---
"""Pipeline reference for scband-word-embedding-13761075216489 (READ-ONLY COPY).

The authoritative reference and input builder live on the scoring server;
editing this copy changes nothing except your own understanding.
"""

import jax, jax.numpy as jnp
import numpy as np

VOCAB = 1000000
DIM = 64

def setup_inputs(seed: int = 0) -> dict:
    key = jax.random.key(seed)
    k_idx, k_w = jax.random.split(key)
    x = jax.random.randint(k_idx, (4096, 200), 0, VOCAB, dtype=jnp.int64) if jax.config.jax_enable_x64 else jax.random.randint(k_idx, (4096, 200), 0, VOCAB, dtype=jnp.int32)
    scope = float(np.sqrt(1.0 / DIM))
    lut_weight = jax.random.uniform(k_w, (VOCAB, DIM), dtype=jnp.float32, minval=-scope, maxval=scope)
    lut_weight = lut_weight.at[0].set(jnp.zeros((DIM,), dtype=jnp.float32))
    return {"x": x, "lut_weight": lut_weight}

def reference(x, lut_weight):
    # WordEmbedding.forward: embeds = self.lut(x)
    embeds = jnp.take(lut_weight, x, axis=0)
    return embeds

if __name__ == "__main__":
    import jax
    _d = setup_inputs()
    print(jax.jit(kernel)(*tuple(_d.values())))

</pallas_src>

<mosaic_0001>
#map = affine_map<(d0, d1) -> (0, 0)>
#map1 = affine_map<(d0, d1) -> (0)>
module attributes {stable_mosaic.version = 14 : i64} {
  func.func @k(%arg0: i32, %arg1: i32, %arg2: memref<1000000x64xf32, #tpu.memory_space<hbm>>, %arg3: memref<819200xi32, #tpu.memory_space<hbm>>, %arg4: memref<819200x128xf32, #tpu.memory_space<hbm>>, %arg5: memref<25600xi32, #tpu.memory_space<vmem>>, %arg6: memref<8x200x64xf32, #tpu.memory_space<vmem>>, %arg7: memref<8x!tpu.dma_semaphore, #tpu.memory_space<semaphore_mem>>, %arg8: memref<8x!tpu.dma_semaphore, #tpu.memory_space<semaphore_mem>>) attributes {dimension_semantics = [#tpu.dimension_semantics<core_parallel>, #tpu.dimension_semantics<subcore_parallel>], iteration_bounds = array<i64: 2, 16>, scalar_prefetch = 0 : i64, scratch_operands = 4 : i64, tpu.core_type = #tpu.core_type<sc_vector_subcore>, window_params = [{transform_indices = #map}, {transform_indices = #map1}, {transform_indices = #map}]} {
    %mul3A = arith.constant 2 : i32
    %mul3A_0 = arith.muli %arg1, %mul3A : i32
    %add3A = arith.addi %mul3A_0, %arg0 : i32
    %mul3A_1 = arith.constant 25600 : i32
    %mul3A_2 = arith.muli %add3A, %mul3A_1 : i32
    "tpu.region"() ({
      %run_scoped3A = tpu.sem_alloc : memref<!tpu.dma_semaphore, #tpu.memory_space<semaphore_mem>>
      %dma_start3A_486 = tpu.memref_slice %arg3[%mul3A_2] : memref<819200xi32, #tpu.memory_space<hbm>> -> memref<25600xi32, #tpu.memory_space<hbm>>
      %dma_start3A_487 = tpu.memref_slice %arg3[%mul3A_2] : memref<819200xi32, #tpu.memory_space<hbm>> -> memref<25600xi32, #tpu.memory_space<hbm>>
      tpu.enqueue_dma source(%dma_start3A_487 : memref<25600xi32, #tpu.memory_space<hbm>>) target(%arg5 : memref<25600xi32, #tpu.memory_space<vmem>>) target_semaphore(%run_scoped3A : memref<!tpu.dma_semaphore, #tpu.memory_space<semaphore_mem>>)
      %dma_wait3A_488 = tpu.memref_slice %arg3[%mul3A_2] : memref<819200xi32, #tpu.memory_space<hbm>> -> memref<25600xi32, #tpu.memory_space<hbm>>
      %dma_wait3A_489 = tpu.memref_slice %arg3[%mul3A_2] : memref<819200xi32, #tpu.memory_space<hbm>> -> memref<25600xi32, #tpu.memory_space<hbm>>
      tpu.wait_dma2 semaphore(%run_scoped3A : memref<!tpu.dma_semaphore, #tpu.memory_space<semaphore_mem>>) src(%dma_wait3A_489 : memref<25600xi32, #tpu.memory_space<hbm>>) dst(%arg5 : memref<25600xi32, #tpu.memory_space<vmem>>)
      tpu.yield
    }) : () -> ()
    %dma_start3A = arith.constant 0 : i32
    %dma_start3A_3 = arith.constant 0 : i32
    %dma_start3A_4 = arith.constant 0 : i32
    %dma_start3A_5 = arith.constant 0 : i32
    %dma_start3A_6 = tpu.memref_slice %arg6[%dma_start3A, %dma_start3A_4, %dma_start3A_5] : memref<8x200x64xf32, #tpu.memory_space<vmem>> -> memref<1x200x64xf32, #tpu.memory_space<vmem>>
    %dma_start3A_7 = tpu.memref_squeeze %dma_start3A_6 : memref<1x200x64xf32, #tpu.memory_space<vmem>> -> memref<200x64xf32, #tpu.memory_space<vmem>>
    %dma_start3A_8 = arith.constant 0 : i32
    %dma_start3A_9 = tpu.memref_slice %arg5[%dma_start3A_8] : memref<25600xi32, #tpu.memory_space<vmem>> -> memref<200xi32, #tpu.memory_space<vmem>>
    %dma_start3A_10 = arith.constant 0 : i32
    %dma_start3A_11 = arith.constant 0 : i32
    %dma_start3A_12 = tpu.memref_slice %arg2[%dma_start3A_10, %dma_start3A_11] : memref<1000000x64xf32, #tpu.memory_space<hbm>> -> memref<1000000x64xf32, #tpu.memory_space<hbm>>
    %dma_start3A_13 = tpu.memref_slice %arg7[%dma_start3A_3] : memref<8x!tpu.dma_semaphore, #tpu.memory_space<semaphore_mem>> -> memref<1x!tpu.dma_semaphore, #tpu.memory_space<semaphore_mem>>
    %dma_start3A_14 = tpu.memref_squeeze %dma_start3A_13 : memref<1x!tpu.dma_semaphore, #tpu.memory_space<semaphore_mem>> -> memref<!tpu.dma_semaphore, #tpu.memory_space<semaphore_mem>>
    tpu.enqueue_indirect_dma source(%dma_start3A_12 : memref<1000000x64xf32, #tpu.memory_space<hbm>>) target(%dma_start3A_7 : memref<200x64xf32, #tpu.memory_space<vmem>>) offsets(%dma_start3A_9 : memref<200xi32, #tpu.memory_space<vmem>>) semaphore(%dma_start3A_14 : memref<!tpu.dma_semaphore, #tpu.memory_space<semaphore_mem>>)
    %dma_start3A_15 = arith.constant 1 : i32
    %dma_start3A_16 = arith.constant 1 : i32
    %dma_start3A_17 = arith.constant 0 : i32
    %dma_start3A_18 = arith.constant 0 : i32
    %dma_start3A_19 = tpu.memref_slice %arg6[%dma_start3A_15, %dma_start3A_17, %dma_start3A_18] : memref<8x200x64xf32, #tpu.memory_space<vmem>> -> memref<1x200x64xf32, #tpu.memory_space<vmem>>
    %dma_start3A_20 = tpu.memref_squeeze %dma_start3A_19 : memref<1x200x64xf32, #tpu.memory_space<vmem>> -> memref<200x64xf32, #tpu.memory_space<vmem>>
    %dma_start3A_21 = arith.constant 200 : i32
    %dma_start3A_22 = tpu.memref_slice %arg5[%dma_start3A_21] : memref<25600xi32, #tpu.memory_space<vmem>> -> memref<200xi32, #tpu.memory_space<vmem>>
    %dma_start3A_23 = arith.constant 0 : i32
    %dma_start3A_24 = arith.constant 0 : i32
    %dma_start3A_25 = tpu.memref_slice %arg2[%dma_start3A_23, %dma_start3A_24] : memref<1000000x64xf32, #tpu.memory_space<hbm>> -> memref<1000000x64xf32, #tpu.memory_space<hbm>>
    %dma_start3A_26 = tpu.memref_slice %arg7[%dma_start3A_16] : memref<8x!tpu.dma_semaphore, #tpu.memory_space<semaphore_mem>> -> memref<1x!tpu.dma_semaphore, #tpu.memory_space<semaphore_mem>>
    %dma_start3A_27 = tpu.memref_squeeze %dma_start3A_26 : memref<1x!tpu.dma_semaphore, #tpu.memory_space<semaphore_mem>> -> memref<!tpu.dma_semaphore, #tpu.memory_space<semaphore_mem>>
    tpu.enqueue_indirect_dma source(%dma_start3A_25 : memref<1000000x64xf32, #tpu.memory_space<hbm>>) target(%dma_start3A_20 : memref<200x64xf32, #tpu.memory_space<vmem>>) offsets(%dma_start3A_22 : memref<200xi32, #tpu.memory_space<vmem>>) semaphore(%dma_start3A_27 : memref<!tpu.dma_semaphore, #tpu.memory_space<semaphore_mem>>)
    %dma_start3A_28 = arith.constant 2 : i32
    %dma_start3A_29 = arith.constant 2 : i32
    %dma_start3A_30 = arith.constant 0 : i32
    %dma_start3A_31 = arith.constant 0 : i32
    %dma_start3A_32 = tpu.memref_slice %arg6[%dma_start3A_28, %dma_start3A_30, %dma_start3A_31] : memref<8x200x64xf32, #tpu.memory_space<vmem>> -> memref<1x200x64xf32, #tpu.memory_space<vmem>>
    %dma_start3A_33 = tpu.memref_squeeze %dma_start3A_32 : memref<1x200x64xf32, #tpu.memory_space<vmem>> -> memref<200x64xf32, #tpu.memory_space<vmem>>
    %dma_start3A_34 = arith.constant 400 : i32
    %dma_start3A_35 = tpu.memref_slice %arg5[%dma_start3A_34] : memref<25600xi32, #tpu.memory_space<vmem>> -> memref<200xi32, #tpu.memory_space<vmem>>
    %dma_start3A_36 = arith.constant 0 : i32
    %dma_start3A_37 = arith.constant 0 : i32
    %dma_start3A_38 = tpu.memref_slice %arg2[%dma_start3A_36, %dma_start3A_37] : memref<1000000x64xf32, #tpu.memory_space<hbm>> -> memref<1000000x64xf32, #tpu.memory_space<hbm>>
    %dma_start3A_39 = tpu.memref_slice %arg7[%dma_start3A_29] : memref<8x!tpu.dma_semaphore, #tpu.memory_space<semaphore_mem>> -> memref<1x!tpu.dma_semaphore, #tpu.memory_space<semaphore_mem>>
    %dma_start3A_40 = tpu.memref_squeeze %dma_start3A_39 : memref<1x!tpu.dma_semaphore, #tpu.memory_space<semaphore_mem>> -> memref<!tpu.dma_semaphore, #tpu.memory_space<semaphore_mem>>
    tpu.enqueue_indirect_dma source(%dma_start3A_38 : memref<1000000x64xf32, #tpu.memory_space<hbm>>) target(%dma_start3A_33 : memref<200x64xf32, #tpu.memory_space<vmem>>) offsets(%dma_start3A_35 : memref<200xi32, #tpu.memory_space<vmem>>) semaphore(%dma_start3A_40 : memref<!tpu.dma_semaphore, #tpu.memory_space<semaphore_mem>>)
    %dma_start3A_41 = arith.constant 3 : i32
    %dma_start3A_42 = arith.constant 3 : i32
    %dma_start3A_43 = arith.constant 0 : i32
    %dma_start3A_44 = arith.constant 0 : i32
    %dma_start3A_45 = tpu.memref_slice %arg6[%dma_start3A_41, %dma_start3A_43, %dma_start3A_44] : memref<8x200x64xf32, #tpu.memory_space<vmem>> -> memref<1x200x64xf32, #tpu.memory_space<vmem>>
    %dma_start3A_46 = tpu.memref_squeeze %dma_start3A_45 : memref<1x200x64xf32, #tpu.memory_space<vmem>> -> memref<200x64xf32, #tpu.memory_space<vmem>>
    %dma_start3A_47 = arith.constant 600 : i32
    %dma_start3A_48 = tpu.memref_slice %arg5[%dma_start3A_47] : memref<25600xi32, #tpu.memory_space<vmem>> -> memref<200xi32, #tpu.memory_space<vmem>>
    %dma_start3A_49 = arith.constant 0 : i32
    %dma_start3A_50 = arith.constant 0 : i32
    %dma_start3A_51 = tpu.memref_slice %arg2[%dma_start3A_49, %dma_start3A_50] : memref<1000000x64xf32, #tpu.memory_space<hbm>> -> memref<1000000x64xf32, #tpu.memory_space<hbm>>
    %dma_start3A_52 = tpu.memref_slice %arg7[%dma_start3A_42] : memref<8x!tpu.dma_semaphore, #tpu.memory_space<semaphore_mem>> -> memref<1x!tpu.dma_semaphore, #tpu.memory_space<semaphore_mem>>
    %dma_start3A_53 = tpu.memref_squeeze %dma_start3A_52 : memref<1x!tpu.dma_semaphore, #tpu.memory_space<semaphore_mem>> -> memref<!tpu.dma_semaphore, #tpu.memory_space<semaphore_mem>>
    tpu.enqueue_indirect_dma source(%dma_start3A_51 : memref<1000000x64xf32, #tpu.memory_space<hbm>>) target(%dma_start3A_46 : memref<200x64xf32, #tpu.memory_space<vmem>>) offsets(%dma_start3A_48 : memref<200xi32, #tpu.memory_space<vmem>>) semaphore(%dma_start3A_53 : memref<!tpu.dma_semaphore, #tpu.memory_space<semaphore_mem>>)
    %dma_start3A_54 = arith.constant 4 : i32
    %dma_start3A_55 = arith.constant 4 : i32
    %dma_start3A_56 = arith.constant 0 : i32
    %dma_start3A_57 = arith.constant 0 : i32
    %dma_start3A_58 = tpu.memref_slice %arg6[%dma_start3A_54, %dma_start3A_56, %dma_start3A_57] : memref<8x200x64xf32, #tpu.memory_space<vmem>> -> memref<1x200x64xf32, #tpu.memory_space<vmem>>
    %dma_start3A_59 = tpu.memref_squeeze %dma_start3A_58 : memref<1x200x64xf32, #tpu.memory_space<vmem>> -> memref<200x64xf32, #tpu.memory_space<vmem>>
    %dma_start3A_60 = arith.constant 800 : i32
    %dma_start3A_61 = tpu.memref_slice %arg5[%dma_start3A_60] : memref<25600xi32, #tpu.memory_space<vmem>> -> memref<200xi32, #tpu.memory_space<vmem>>
    %dma_start3A_62 = arith.constant 0 : i32
    %dma_start3A_63 = arith.constant 0 : i32
    %dma_start3A_64 = tpu.memref_slice %arg2[%dma_start3A_62, %dma_start3A_63] : memref<1000000x64xf32, #tpu.memory_space<hbm>> -> memref<1000000x64xf32, #tpu.memory_space<hbm>>
    %dma_start3A_65 = tpu.memref_slice %arg7[%dma_start3A_55] : memref<8x!tpu.dma_semaphore, #tpu.memory_space<semaphore_mem>> -> memref<1x!tpu.dma_semaphore, #tpu.memory_space<semaphore_mem>>
    %dma_start3A_66 = tpu.memref_squeeze %dma_start3A_65 : memref<1x!tpu.dma_semaphore, #tpu.memory_space<semaphore_mem>> -> memref<!tpu.dma_semaphore, #tpu.memory_space<semaphore_mem>>
    tpu.enqueue_indirect_dma source(%dma_start3A_64 : memref<1000000x64xf32, #tpu.memory_space<hbm>>) target(%dma_start3A_59 : memref<200x64xf32, #tpu.memory_space<vmem>>) offsets(%dma_start3A_61 : memref<200xi32, #tpu.memory_space<vmem>>) semaphore(%dma_start3A_66 : memref<!tpu.dma_semaphore, #tpu.memory_space<semaphore_mem>>)
    %dma_start3A_67 = arith.constant 5 : i32
    %dma_start3A_68 = arith.constant 5 : i32
    %dma_start3A_69 = arith.constant 0 : i32
    %dma_start3A_70 = arith.constant 0 : i32
    %dma_start3A_71 = tpu.memref_slice %arg6[%dma_start3A_67, %dma_start3A_69, %dma_start3A_70] : memref<8x200x64xf32, #tpu.memory_space<vmem>> -> memref<1x200x64xf32, #tpu.memory_space<vmem>>
    %dma_start3A_72 = tpu.memref_squeeze %dma_start3A_71 : memref<1x200x64xf32, #tpu.memory_space<vmem>> -> memref<200x64xf32, #tpu.memory_space<vmem>>
    %dma_start3A_73 = arith.constant 1000 : i32
    %dma_start3A_74 = tpu.memref_slice %arg5[%dma_start3A_73] : memref<25600xi32, #tpu.memory_space<vmem>> -> memref<200xi32, #tpu.memory_space<vmem>>
    %dma_start3A_75 = arith.constant 0 : i32
    %dma_start3A_76 = arith.constant 0 : i32
    %dma_start3A_77 = tpu.memref_slice %arg2[%dma_start3A_75, %dma_start3A_76] : memref<1000000x64xf32, #tpu.memory_space<hbm>> -> memref<1000000x64xf32, #tpu.memory_space<hbm>>
    %dma_start3A_78 = tpu.memref_slice %arg7[%dma_start3A_68] : memref<8x!tpu.dma_semaphore, #tpu.memory_space<semaphore_mem>> -> memref<1x!tpu.dma_semaphore, #tpu.memory_space<semaphore_mem>>
    %dma_start3A_79 = tpu.memref_squeeze %dma_start3A_78 : memref<1x!tpu.dma_semaphore, #tpu.memory_space<semaphore_mem>> -> memref<!tpu.dma_semaphore, #tpu.memory_space<semaphore_mem>>
    tpu.enqueue_indirect_dma source(%dma_start3A_77 : memref<1000000x64xf32, #tpu.memory_space<hbm>>) target(%dma_start3A_72 : memref<200x64xf32, #tpu.memory_space<vmem>>) offsets(%dma_start3A_74 : memref<200xi32, #tpu.memory_space<vmem>>) semaphore(%dma_start3A_79 : memref<!tpu.dma_semaphore, #tpu.memory_space<semaphore_mem>>)
    %dma_start3A_80 = arith.constant 6 : i32
    %dma_start3A_81 = arith.constant 6 : i32
    %dma_start3A_82 = arith.constant 0 : i32
    %dma_start3A_83 = arith.constant 0 : i32
    %dma_start3A_84 = tpu.memref_slice %arg6[%dma_start3A_80, %dma_start3A_82, %dma_start3A_83] : memref<8x200x64xf32, #tpu.memory_space<vmem>> -> memref<1x200x64xf32, #tpu.memory_space<vmem>>
    %dma_start3A_85 = tpu.memref_squeeze %dma_start3A_84 : memref<1x200x64xf32, #tpu.memory_space<vmem>> -> memref<200x64xf32, #tpu.memory_space<vmem>>
    %dma_start3A_86 = arith.constant 1200 : i32
    %dma_start3A_87 = tpu.memref_slice %arg5[%dma_start3A_86] : memref<25600xi32, #tpu.memory_space<vmem>> -> memref<200xi32, #tpu.memory_space<vmem>>
    %dma_start3A_88 = arith.constant 0 : i32
    %dma_start3A_89 = arith.constant 0 : i32
    %dma_start3A_90 = tpu.memref_slice %arg2[%dma_start3A_88, %dma_start3A_89] : memref<1000000x64xf32, #tpu.memory_space<hbm>> -> memref<1000000x64xf32, #tpu.memory_space<hbm>>
    %dma_start3A_91 = tpu.memref_slice %arg7[%dma_start3A_81] : memref<8x!tpu.dma_semaphore, #tpu.memory_space<semaphore_mem>> -> memref<1x!tpu.dma_semaphore, #tpu.memory_space<semaphore_mem>>
    %dma_start3A_92 = tpu.memref_squeeze %dma_start3A_91 : memref<1x!tpu.dma_semaphore, #tpu.memory_space<semaphore_mem>> -> memref<!tpu.dma_semaphore, #tpu.memory_space<semaphore_mem>>
    tpu.enqueue_indirect_dma source(%dma_start3A_90 : memref<1000000x64xf32, #tpu.memory_space<hbm>>) target(%dma_start3A_85 : memref<200x64xf32, #tpu.memory_space<vmem>>) offsets(%dma_start3A_87 : memref<200xi32, #tpu.memory_space<vmem>>) semaphore(%dma_start3A_92 : memref<!tpu.dma_semaphore, #tpu.memory_space<semaphore_mem>>)
    %dma_start3A_93 = arith.constant 7 : i32
    %dma_start3A_94 = arith.constant 7 : i32
    %dma_start3A_95 = arith.constant 0 : i32
    %dma_start3A_96 = arith.constant 0 : i32
    %dma_start3A_97 = tpu.memref_slice %arg6[%dma_start3A_93, %dma_start3A_95, %dma_start3A_96] : memref<8x200x64xf32, #tpu.memory_space<vmem>> -> memref<1x200x64xf32, #tpu.memory_space<vmem>>
    %dma_start3A_98 = tpu.memref_squeeze %dma_start3A_97 : memref<1x200x64xf32, #tpu.memory_space<vmem>> -> memref<200x64xf32, #tpu.memory_space<vmem>>
    %dma_start3A_99 = arith.constant 1400 : i32
    %dma_start3A_100 = tpu.memref_slice %arg5[%dma_start3A_99] : memref<25600xi32, #tpu.memory_space<vmem>> -> memref<200xi32, #tpu.memory_space<vmem>>
    %dma_start3A_101 = arith.constant 0 : i32
    %dma_start3A_102 = arith.constant 0 : i32
    %dma_start3A_103 = tpu.memref_slice %arg2[%dma_start3A_101, %dma_start3A_102] : memref<1000000x64xf32, #tpu.memory_space<hbm>> -> memref<1000000x64xf32, #tpu.memory_space<hbm>>
    %dma_start3A_104 = tpu.memref_slice %arg7[%dma_start3A_94] : memref<8x!tpu.dma_semaphore, #tpu.memory_space<semaphore_mem>> -> memref<1x!tpu.dma_semaphore, #tpu.memory_space<semaphore_mem>>
    %dma_start3A_105 = tpu.memref_squeeze %dma_start3A_104 : memref<1x!tpu.dma_semaphore, #tpu.memory_space<semaphore_mem>> -> memref<!tpu.dma_semaphore, #tpu.memory_space<semaphore_mem>>
    tpu.enqueue_indirect_dma source(%dma_start3A_103 : memref<1000000x64xf32, #tpu.memory_space<hbm>>) target(%dma_start3A_98 : memref<200x64xf32, #tpu.memory_space<vmem>>) offsets(%dma_start3A_100 : memref<200xi32, #tpu.memory_space<vmem>>) semaphore(%dma_start3A_105 : memref<!tpu.dma_semaphore, #tpu.memory_space<semaphore_mem>>)
    %scan3A = arith.constant 0 : i32
    %scan3A_106 = arith.constant 0 : i32
    %scan3A_107 = arith.constant 15 : i32
    %scan3A_108 = arith.addi %scan3A_106, %scan3A_107 : i32
    %scan3A_109 = arith.constant 1 : i32
    scf.for %scan3A_486 = %scan3A_106 to %scan3A_108 step %scan3A_109  : i32 {
      %mul3A_487 = arith.constant 8 : i32
      %mul3A_488 = arith.muli %scan3A_486, %mul3A_487 : i32
      %add3A_489 = arith.constant 0 : i32
      %add3A_490 = arith.addi %mul3A_488, %add3A_489 : i32
      %dma_wait3A_491 = arith.constant 0 : i32
      %dma_wait3A_492 = arith.constant 0 : i32
      %dma_wait3A_493 = arith.constant 0 : i32
      %dma_wait3A_494 = arith.constant 0 : i32
      %dma_wait3A_495 = tpu.memref_slice %arg6[%dma_wait3A_491, %dma_wait3A_493, %dma_wait3A_494] : memref<8x200x64xf32, #tpu.memory_space<vmem>> -> memref<1x200x64xf32, #tpu.memory_space<vmem>>
      %dma_wait3A_496 = tpu.memref_squeeze %dma_wait3A_495 : memref<1x200x64xf32, #tpu.memory_space<vmem>> -> memref<200x64xf32, #tpu.memory_space<vmem>>
      %dma_wait3A_497 = arith.constant 0 : i32
      %dma_wait3A_498 = tpu.memref_slice %arg5[%dma_wait3A_497] : memref<25600xi32, #tpu.memory_space<vmem>> -> memref<200xi32, #tpu.memory_space<vmem>>
      %dma_wait3A_499 = arith.constant 0 : i32
      %dma_wait3A_500 = arith.constant 0 : i32
      %dma_wait3A_501 = tpu.memref_slice %arg2[%dma_wait3A_499, %dma_wait3A_500] : memref<1000000x64xf32, #tpu.memory_space<hbm>> -> memref<1000000x64xf32, #tpu.memory_space<hbm>>
      %dma_wait3A_502 = tpu.memref_slice %arg7[%dma_wait3A_492] : memref<8x!tpu.dma_semaphore, #tpu.memory_space<semaphore_mem>> -> memref<1x!tpu.dma_semaphore, #tpu.memory_space<semaphore_mem>>
      %dma_wait3A_503 = tpu.memref_squeeze %dma_wait3A_502 : memref<1x!tpu.dma_semaphore, #tpu.memory_space<semaphore_mem>> -> memref<!tpu.dma_semaphore, #tpu.memory_space<semaphore_mem>>
      tpu.wait_indirect_dma semaphore(%dma_wait3A_503 : memref<!tpu.dma_semaphore, #tpu.memory_space<semaphore_mem>>) src(%dma_wait3A_501 : memref<1000000x64xf32, #tpu.memory_space<hbm>>) dst(%dma_wait3A_496 : memref<200x64xf32, #tpu.memory_space<vmem>>)
      %mul3A_504 = arith.constant 200 : i32
      %mul3A_505 = arith.muli %add3A_490, %mul3A_504 : i32
      %add3A_506 = arith.addi %mul3A_2, %mul3A_505 : i32
      %dma_start3A_507 = arith.constant 0 : i32
      %dma_start3A_508 = arith.constant 0 : i32
      %dma_start3A_509 = arith.constant 0 : i32
      %dma_start3A_510 = arith.constant 0 : i32
      %dma_start3A_511 = tpu.memref_slice %arg6[%dma_start3A_507, %dma_start3A_509, %dma_start3A_510] : memref<8x200x64xf32, #tpu.memory_space<vmem>> -> memref<1x200x64xf32, #tpu.memory_space<vmem>>
      %dma_start3A_512 = tpu.memref_squeeze %dma_start3A_511 : memref<1x200x64xf32, #tpu.memory_space<vmem>> -> memref<200x64xf32, #tpu.memory_space<vmem>>
      %dma_start3A_513 = arith.constant 0 : i32
      %dma_start3A_514 = tpu.memref_slice %arg4[%add3A_506, %dma_start3A_513] : memref<819200x128xf32, #tpu.memory_space<hbm>> -> memref<200x64xf32, #tpu.memory_space<hbm>>
      %dma_start3A_515 = tpu.memref_slice %arg8[%dma_start3A_508] : memref<8x!tpu.dma_semaphore, #tpu.memory_space<semaphore_mem>> -> memref<1x!tpu.dma_semaphore, #tpu.memory_space<semaphore_mem>>
      %dma_start3A_516 = tpu.memref_squeeze %dma_start3A_515 : memref<1x!tpu.dma_semaphore, #tpu.memory_space<semaphore_mem>> -> memref<!tpu.dma_semaphore, #tpu.memory_space<semaphore_mem>>
      %dma_start3A_517 = arith.constant 0 : i32
      %dma_start3A_518 = tpu.memref_slice %arg4[%add3A_506, %dma_start3A_517] : memref<819200x128xf32, #tpu.memory_space<hbm>> -> memref<200x64xf32, #tpu.memory_space<hbm>>
      %dma_start3A_519 = arith.constant 0 : i32
      %dma_start3A_520 = arith.constant 0 : i32
      %dma_start3A_521 = tpu.memref_slice %arg6[%dma_start3A_507, %dma_start3A_519, %dma_start3A_520] : memref<8x200x64xf32, #tpu.memory_space<vmem>> -> memref<1x200x64xf32, #tpu.memory_space<vmem>>
      %dma_start3A_522 = tpu.memref_squeeze %dma_start3A_521 : memref<1x200x64xf32, #tpu.memory_space<vmem>> -> memref<200x64xf32, #tpu.memory_space<vmem>>
      tpu.enqueue_dma source(%dma_start3A_522 : memref<200x64xf32, #tpu.memory_space<vmem>>) target(%dma_start3A_518 : memref<200x64xf32, #tpu.memory_space<hbm>>) target_semaphore(%dma_start3A_516 : memref<!tpu.dma_semaphore, #tpu.memory_space<semaphore_mem>>)
      %dma_wait3A_523 = arith.constant 0 : i32
      %dma_wait3A_524 = arith.constant 0 : i32
      %dma_wait3A_525 = arith.constant 0 : i32
      %dma_wait3A_526 = arith.constant 0 : i32
      %dma_wait3A_527 = tpu.memref_slice %arg6[%dma_wait3A_523, %dma_wait3A_525, %dma_wait3A_526] : memref<8x200x64xf32, #tpu.memory_space<vmem>> -> memref<1x200x64xf32, #tpu.memory_space<vmem>>
      %dma_wait3A_528 = tpu.memref_squeeze %dma_wait3A_527 : memref<1x200x64xf32, #tpu.memory_space<vmem>> -> memref<200x64xf32, #tpu.memory_space<vmem>>
      %dma_wait3A_529 = arith.constant 0 : i32
      %dma_wait3A_530 = tpu.memref_slice %arg4[%mul3A_2, %dma_wait3A_529] : memref<819200x128xf32, #tpu.memory_space<hbm>> -> memref<200x64xf32, #tpu.memory_space<hbm>>
      %dma_wait3A_531 = tpu.memref_slice %arg8[%dma_wait3A_524] : memref<8x!tpu.dma_semaphore, #tpu.memory_space<semaphore_mem>> -> memref<1x!tpu.dma_semaphore, #tpu.memory_space<semaphore_mem>>
      %dma_wait3A_532 = tpu.memref_squeeze %dma_wait3A_531 : memref<1x!tpu.dma_semaphore, #tpu.memory_space<semaphore_mem>> -> memref<!tpu.dma_semaphore, #tpu.memory_space<semaphore_mem>>
      %dma_wait3A_533 = arith.constant 0 : i32
      %dma_wait3A_534 = tpu.memref_slice %arg4[%mul3A_2, %dma_wait3A_533] : memref<819200x128xf32, #tpu.memory_space<hbm>> -> memref<200x64xf32, #tpu.memory_space<hbm>>
      %dma_wait3A_535 = arith.constant 0 : i32
      %dma_wait3A_536 = arith.constant 0 : i32
      %dma_wait3A_537 = tpu.memref_slice %arg6[%dma_wait3A_523, %dma_wait3A_535, %dma_wait3A_536] : memref<8x200x64xf32, #tpu.memory_space<vmem>> -> memref<1x200x64xf32, #tpu.memory_space<vmem>>
      %dma_wait3A_538 = tpu.memref_squeeze %dma_wait3A_537 : memref<1x200x64xf32, #tpu.memory_space<vmem>> -> memref<200x64xf32, #tpu.memory_space<vmem>>
      tpu.wait_dma2 semaphore(%dma_wait3A_532 : memref<!tpu.dma_semaphore, #tpu.memory_space<semaphore_mem>>) src(%dma_wait3A_538 : memref<200x64xf32, #tpu.memory_space<vmem>>) dst(%dma_wait3A_534 : memref<200x64xf32, #tpu.memory_space<hbm>>)
      %add3A_539 = arith.constant 8 : i32
      %add3A_540 = arith.addi %add3A_490, %add3A_539 : i32
      %mul3A_541 = arith.constant 200 : i32
      %mul3A_542 = arith.muli %add3A_540, %mul3A_541 : i32
      %dma_start3A_543 = arith.constant 0 : i32
      %dma_start3A_544 = arith.constant 0 : i32
      %dma_start3A_545 = arith.constant 0 : i32
      %dma_start3A_546 = arith.constant 0 : i32
      %dma_start3A_547 = tpu.memref_slice %arg6[%dma_start3A_543, %dma_start3A_545, %dma_start3A_546] : memref<8x200x64xf32, #tpu.memory_space<vmem>> -> memref<1x200x64xf32, #tpu.memory_space<vmem>>
      %dma_start3A_548 = tpu.memref_squeeze %dma_start3A_547 : memref<1x200x64xf32, #tpu.memory_space<vmem>> -> memref<200x64xf32, #tpu.memory_space<vmem>>
      %dma_start3A_549 = tpu.memref_slice %arg5[%mul3A_542] : memref<25600xi32, #tpu.memory_space<vmem>> -> memref<200xi32, #tpu.memory_space<vmem>>
      %dma_start3A_550 = arith.constant 0 : i32
      %dma_start3A_551 = arith.constant 0 : i32
      %dma_start3A_552 = tpu.memref_slice %arg2[%dma_start3A_550, %dma_start3A_551] : memref<1000000x64xf32, #tpu.memory_space<hbm>> -> memref<1000000x64xf32, #tpu.memory_space<hbm>>
      %dma_start3A_553 = tpu.memref_slice %arg7[%dma_start3A_544] : memref<8x!tpu.dma_semaphore, #tpu.memory_space<semaphore_mem>> -> memref<1x!tpu.dma_semaphore, #tpu.memory_space<semaphore_mem>>
      %dma_start3A_554 = tpu.memref_squeeze %dma_start3A_553 : memref<1x!tpu.dma_semaphore, #tpu.memory_space<semaphore_mem>> -> memref<!tpu.dma_semaphore, #tpu.memory_space<semaphore_mem>>
      tpu.enqueue_indirect_dma source(%dma_start3A_552 : memref<1000000x64xf32, #tpu.memory_space<hbm>>) target(%dma_start3A_548 : memref<200x64xf32, #tpu.memory_space<vmem>>) offsets(%dma_start3A_549 : memref<200xi32, #tpu.memory_space<vmem>>) semaphore(%dma_start3A_554 : memref<!tpu.dma_semaphore, #tpu.memory_space<semaphore_mem>>)
      %mul3A_555 = arith.constant 8 : i32
      %mul3A_556 = arith.muli %scan3A_486, %mul3A_555 : i32
      %add3A_557 = arith.constant 1 : i32
      %add3A_558 = arith.addi %mul3A_556, %add3A_557 : i32
      %dma_wait3A_559 = arith.constant 1 : i32
      %dma_wait3A_560 = arith.constant 1 : i32
      %dma_wait3A_561 = arith.constant 0 : i32
      %dma_wait3A_562 = arith.constant 0 : i32
      %dma_wait3A_563 = tpu.memref_slice %arg6[%dma_wait3A_559, %dma_wait3A_561, %dma_wait3A_562] : memref<8x200x64xf32, #tpu.memory_space<vmem>> -> memref<1x200x64xf32, #tpu.memory_space<vmem>>
      %dma_wait3A_564 = tpu.memref_squeeze %dma_wait3A_563 : memref<1x200x64xf32, #tpu.memory_space<vmem>> -> memref<200x64xf32, #tpu.memory_space<vmem>>
      %dma_wait3A_565 = arith.constant 0 : i32
      %dma_wait3A_566 = tpu.memref_slice %arg5[%dma_wait3A_565] : memref<25600xi32, #tpu.memory_space<vmem>> -> memref<200xi32, #tpu.memory_space<vmem>>
      %dma_wait3A_567 = arith.constant 0 : i32
      %dma_wait3A_568 = arith.constant 0 : i32
      %dma_wait3A_569 = tpu.memref_slice %arg2[%dma_wait3A_567, %dma_wait3A_568] : memref<1000000x64xf32, #tpu.memory_space<hbm>> -> memref<1000000x64xf32, #tpu.memory_space<hbm>>
      %dma_wait3A_570 = tpu.memref_slice %arg7[%dma_wait3A_560] : memref<8x!tpu.dma_semaphore, #tpu.memory_space<semaphore_mem>> -> memref<1x!tpu.dma_semaphore, #tpu.memory_space<semaphore_mem>>
      %dma_wait3A_571 = tpu.memref_squeeze %dma_wait3A_570 : memref<1x!tpu.dma_semaphore, #tpu.memory_space<semaphore_mem>> -> memref<!tpu.dma_semaphore, #tpu.memory_space<semaphore_mem>>
      tpu.wait_indirect_dma semaphore(%dma_wait3A_571 : memref<!tpu.dma_semaphore, #tpu.memory_space<semaphore_mem>>) src(%dma_wait3A_569 : memref<1000000x64xf32, #tpu.memory_space<hbm>>) dst(%dma_wait3A_564 : memref<200x64xf32, #tpu.memory_space<vmem>>)
      %mul3A_572 = arith.constant 200 : i32
      %mul3A_573 = arith.muli %add3A_558, %mul3A_572 : i32
      %add3A_574 = arith.addi %mul3A_2, %mul3A_573 : i32
      %dma_start3A_575 = arith.constant 1 : i32
      %dma_start3A_576 = arith.constant 1 : i32
      %dma_start3A_577 = arith.constant 0 : i32
      %dma_start3A_578 = arith.constant 0 : i32
      %dma_start3A_579 = tpu.memref_slice %arg6[%dma_start3A_575, %dma_start3A_577, %dma_start3A_578] : memref<8x200x64xf32, #tpu.memory_space<vmem>> -> memref<1x200x64xf32, #tpu.memory_space<vmem>>
      %dma_start3A_580 = tpu.memref_squeeze %dma_start3A_579 : memref<1x200x64xf32, #tpu.memory_space<vmem>> -> memref<200x64xf32, #tpu.memory_space<vmem>>
      %dma_start3A_581 = arith.constant 0 : i32
      %dma_start3A_582 = tpu.memref_slice %arg4[%add3A_574, %dma_start3A_581] : memref<819200x128xf32, #tpu.memory_space<hbm>> -> memref<200x64xf32, #tpu.memory_space<hbm>>
      %dma_start3A_583 = tpu.memref_slice %arg8[%dma_start3A_576] : memref<8x!tpu.dma_semaphore, #tpu.memory_space<semaphore_mem>> -> memref<1x!tpu.dma_semaphore, #tpu.memory_space<semaphore_mem>>
      %dma_start3A_584 = tpu.memref_squeeze %dma_start3A_583 : memref<1x!tpu.dma_semaphore, #tpu.memory_space<semaphore_mem>> -> memref<!tpu.dma_semaphore, #tpu.memory_space<semaphore_mem>>
      %dma_start3A_585 = arith.constant 0 : i32
      %dma_start3A_586 = tpu.memref_slice %arg4[%add3A_574, %dma_start3A_585] : memref<819200x128xf32, #tpu.memory_space<hbm>> -> memref<200x64xf32, #tpu.memory_space<hbm>>
      %dma_start3A_587 = arith.constant 0 : i32
      %dma_start3A_588 = arith.constant 0 : i32
      %dma_start3A_589 = tpu.memref_slice %arg6[%dma_start3A_575, %dma_start3A_587, %dma_start3A_588] : memref<8x200x64xf32, #tpu.memory_space<vmem>> -> memref<1x200x64xf32, #tpu.memory_space<vmem>>
      %dma_start3A_590 = tpu.memref_squeeze %dma_start3A_589 : memref<1x200x64xf32, #tpu.memory_space<vmem>> -> memref<200x64xf32, #tpu.memory_space<vmem>>
      tpu.enqueue_dma source(%dma_start3A_590 : memref<200x64xf32, #tpu.memory_space<vmem>>) target(%dma_start3A_586 : memref<200x64xf32, #tpu.memory_space<hbm>>) target_semaphore(%dma_start3A_584 : memref<!tpu.dma_semaphore, #tpu.memory_space<semaphore_mem>>)
      %dma_wait3A_591 = arith.constant 1 : i32
      %dma_wait3A_592 = arith.constant 1 : i32
      %dma_wait3A_593 = arith.constant 0 : i32
      %dma_wait3A_594 = arith.constant 0 : i32
      %dma_wait3A_595 = tpu.memref_slice %arg6[%dma_wait3A_591, %dma_wait3A_593, %dma_wait3A_594] : memref<8x200x64xf32, #tpu.memory_space<vmem>> -> memref<1x200x64xf32, #tpu.memory_space<vmem>>
      %dma_wait3A_596 = tpu.memref_squeeze %dma_wait3A_595 : memref<1x200x64xf32, #tpu.memory_space<vmem>> -> memref<200x64xf32, #tpu.memory_space<vmem>>
      %dma_wait3A_597 = arith.constant 0 : i32
      %dma_wait3A_598 = tpu.memref_slice %arg4[%mul3A_2, %dma_wait3A_597] : memref<819200x128xf32, #tpu.memory_space<hbm>> -> memref<200x64xf32, #tpu.memory_space<hbm>>
      %dma_wait3A_599 = tpu.memref_slice %arg8[%dma_wait3A_592] : memref<8x!tpu.dma_semaphore, #tpu.memory_space<semaphore_mem>> -> memref<1x!tpu.dma_semaphore, #tpu.memory_space<semaphore_mem>>
      %dma_wait3A_600 = tpu.memref_squeeze %dma_wait3A_599 : memref<1x!tpu.dma_semaphore, #tpu.memory_space<semaphore_mem>> -> memref<!tpu.dma_semaphore, #tpu.memory_space<semaphore_mem>>
      %dma_wait3A_601 = arith.constant 0 : i32
      %dma_wait3A_602 = tpu.memref_slice %arg4[%mul3A_2, %dma_wait3A_601] : memref<819200x128xf32, #tpu.memory_space<hbm>> -> memref<200x64xf32, #tpu.memory_space<hbm>>
      %dma_wait3A_603 = arith.constant 0 : i32
      %dma_wait3A_604 = arith.constant 0 : i32
      %dma_wait3A_605 = tpu.memref_slice %arg6[%dma_wait3A_591, %dma_wait3A_603, %dma_wait3A_604] : memref<8x200x64xf32, #tpu.memory_space<vmem>> -> memref<1x200x64xf32, #tpu.memory_space<vmem>>
      %dma_wait3A_606 = tpu.memref_squeeze %dma_wait3A_605 : memref<1x200x64xf32, #tpu.memory_space<vmem>> -> memref<200x64xf32, #tpu.memory_space<vmem>>
      tpu.wait_dma2 semaphore(%dma_wait3A_600 : memref<!tpu.dma_semaphore, #tpu.memory_space<semaphore_mem>>) src(%dma_wait3A_606 : memref<200x64xf32, #tpu.memory_space<vmem>>) dst(%dma_wait3A_602 : memref<200x64xf32, #tpu.memory_space<hbm>>)
      %add3A_607 = arith.constant 8 : i32
      %add3A_608 = arith.addi %add3A_558, %add3A_607 : i32
      %mul3A_609 = arith.constant 200 : i32
      %mul3A_610 = arith.muli %add3A_608, %mul3A_609 : i32
      %dma_start3A_611 = arith.constant 1 : i32
      %dma_start3A_612 = arith.constant 1 : i32
      %dma_start3A_613 = arith.constant 0 : i32
      %dma_start3A_614 = arith.constant 0 : i32
      %dma_start3A_615 = tpu.memref_slice %arg6[%dma_start3A_611, %dma_start3A_613, %dma_start3A_614] : memref<8x200x64xf32, #tpu.memory_space<vmem>> -> memref<1x200x64xf32, #tpu.memory_space<vmem>>
      %dma_start3A_616 = tpu.memref_squeeze %dma_start3A_615 : memref<1x200x64xf32, #tpu.memory_space<vmem>> -> memref<200x64xf32, #tpu.memory_space<vmem>>
      %dma_start3A_617 = tpu.memref_slice %arg5[%mul3A_610] : memref<25600xi32, #tpu.memory_space<vmem>> -> memref<200xi32, #tpu.memory_space<vmem>>
      %dma_start3A_618 = arith.constant 0 : i32
      %dma_start3A_619 = arith.constant 0 : i32
      %dma_start3A_620 = tpu.memref_slice %arg2[%dma_start3A_618, %dma_start3A_619] : memref<1000000x64xf32, #tpu.memory_space<hbm>> -> memref<1000000x64xf32, #tpu.memory_space<hbm>>
      %dma_start3A_621 = tpu.memref_slice %arg7[%dma_start3A_612] : memref<8x!tpu.dma_semaphore, #tpu.memory_space<semaphore_mem>> -> memref<1x!tpu.dma_semaphore, #tpu.memory_space<semaphore_mem>>
      %dma_start3A_622 = tpu.memref_squeeze %dma_start3A_621 : memref<1x!tpu.dma_semaphore, #tpu.memory_space<semaphore_mem>> -> memref<!tpu.dma_semaphore, #tpu.memory_space<semaphore_mem>>
      tpu.enqueue_indirect_dma source(%dma_start3A_620 : memref<1000000x64xf32, #tpu.memory_space<hbm>>) target(%dma_start3A_616 : memref<200x64xf32, #tpu.memory_space<vmem>>) offsets(%dma_start3A_617 : memref<200xi32, #tpu.memory_space<vmem>>) semaphore(%dma_start3A_622 : memref<!tpu.dma_semaphore, #tpu.memory_space<semaphore_mem>>)
      %mul3A_623 = arith.constant 8 : i32
      %mul3A_624 = arith.muli %scan3A_486, %mul3A_623 : i32
      %add3A_625 = arith.constant 2 : i32
      %add3A_626 = arith.addi %mul3A_624, %add3A_625 : i32
      %dma_wait3A_627 = arith.constant 2 : i32
      %dma_wait3A_628 = arith.constant 2 : i32
      %dma_wait3A_629 = arith.constant 0 : i32
      %dma_wait3A_630 = arith.constant 0 : i32
      %dma_wait3A_631 = tpu.memref_slice %arg6[%dma_wait3A_627, %dma_wait3A_629, %dma_wait3A_630] : memref<8x200x64xf32, #tpu.memory_space<vmem>> -> memref<1x200x64xf32, #tpu.memory_space<vmem>>
      %dma_wait3A_632 = tpu.memref_squeeze %dma_wait3A_631 : memref<1x200x64xf32, #tpu.memory_space<vmem>> -> memref<200x64xf32, #tpu.memory_space<vmem>>
      %dma_wait3A_633 = arith.constant 0 : i32
      %dma_wait3A_634 = tpu.memref_slice %arg5[%dma_wait3A_633] : memref<25600xi32, #tpu.memory_space<vmem>> -> memref<200xi32, #tpu.memory_space<vmem>>
      %dma_wait3A_635 = arith.constant 0 : i32
      %dma_wait3A_636 = arith.constant 0 : i32
      %dma_wait3A_637 = tpu.memref_slice %arg2[%dma_wait3A_635, %dma_wait3A_636] : memref<1000000x64xf32, #tpu.memory_space<hbm>> -> memref<1000000x64xf32, #tpu.memory_space<hbm>>
      %dma_wait3A_638 = tpu.memref_slice %arg7[%dma_wait3A_628] : memref<8x!tpu.dma_semaphore, #tpu.memory_space<semaphore_mem>> -> memref<1x!tpu.dma_semaphore, #tpu.memory_space<semaphore_mem>>
      %dma_wait3A_639 = tpu.memref_squeeze %dma_wait3A_638 : memref<1x!tpu.dma_semaphore, #tpu.memory_space<semaphore_mem>> -> memref<!tpu.dma_semaphore, #tpu.memory_space<semaphore_mem>>
      tpu.wait_indirect_dma semaphore(%dma_wait3A_639 : memref<!tpu.dma_semaphore, #tpu.memory_space<semaphore_mem>>) src(%dma_wait3A_637 : memref<1000000x64xf32, #tpu.memory_space<hbm>>) dst(%dma_wait3A_632 : memref<200x64xf32, #tpu.memory_space<vmem>>)
      %mul3A_640 = arith.constant 200 : i32
      %mul3A_641 = arith.muli %add3A_626, %mul3A_640 : i32
      %add3A_642 = arith.addi %mul3A_2, %mul3A_641 : i32
      %dma_start3A_643 = arith.constant 2 : i32
      %dma_start3A_644 = arith.constant 2 : i32
      %dma_start3A_645 = arith.constant 0 : i32
      %dma_start3A_646 = arith.constant 0 : i32
      %dma_start3A_647 = tpu.memref_slice %arg6[%dma_start3A_643, %dma_start3A_645, %dma_start3A_646] : memref<8x200x64xf32, #tpu.memory_space<vmem>> -> memref<1x200x64xf32, #tpu.memory_space<vmem>>
      %dma_start3A_648 = tpu.memref_squeeze %dma_start3A_647 : memref<1x200x64xf32, #tpu.memory_space<vmem>> -> memref<200x64xf32, #tpu.memory_space<vmem>>
      %dma_start3A_649 = arith.constant 0 : i32
      %dma_start3A_650 = tpu.memref_slice %arg4[%add3A_642, %dma_start3A_649] : memref<819200x128xf32, #tpu.memory_space<hbm>> -> memref<200x64xf32, #tpu.memory_space<hbm>>
      %dma_start3A_651 = tpu.memref_slice %arg8[%dma_start3A_644] : memref<8x!tpu.dma_semaphore, #tpu.memory_space<semaphore_mem>> -> memref<1x!tpu.dma_semaphore, #tpu.memory_space<semaphore_mem>>
      %dma_start3A_652 = tpu.memref_squeeze %dma_start3A_651 : memref<1x!tpu.dma_semaphore, #tpu.memory_space<semaphore_mem>> -> memref<!tpu.dma_semaphore, #tpu.memory_space<semaphore_mem>>
      %dma_start3A_653 = arith.constant 0 : i32
      %dma_start3A_654 = tpu.memref_slice %arg4[%add3A_642, %dma_start3A_653] : memref<819200x128xf32, #tpu.memory_space<hbm>> -> memref<200x64xf32, #tpu.memory_space<hbm>>
      %dma_start3A_655 = arith.constant 0 : i32
      %dma_start3A_656 = arith.constant 0 : i32
      %dma_start3A_657 = tpu.memref_slice %arg6[%dma_start3A_643, %dma_start3A_655, %dma_start3A_656] : memref<8x200x64xf32, #tpu.memory_space<vmem>> -> memref<1x200x64xf32, #tpu.memory_space<vmem>>
      %dma_start3A_658 = tpu.memref_squeeze %dma_start3A_657 : memref<1x200x64xf32, #tpu.memory_space<vmem>> -> memref<200x64xf32, #tpu.memory_space<vmem>>
      tpu.enqueue_dma source(%dma_start3A_658 : memref<200x64xf32, #tpu.memory_space<vmem>>) target(%dma_start3A_654 : memref<200x64xf32, #tpu.memory_space<hbm>>) target_semaphore(%dma_start3A_652 : memref<!tpu.dma_semaphore, #tpu.memory_space<semaphore_mem>>)
      %dma_wait3A_659 = arith.constant 2 : i32
      %dma_wait3A_660 = arith.constant 2 : i32
      %dma_wait3A_661 = arith.constant 0 : i32
      %dma_wait3A_662 = arith.constant 0 : i32
      %dma_wait3A_663 = tpu.memref_slice %arg6[%dma_wait3A_659, %dma_wait3A_661, %dma_wait3A_662] : memref<8x200x64xf32, #tpu.memory_space<vmem>> -> memref<1x200x64xf32, #tpu.memory_space<vmem>>
      %dma_wait3A_664 = tpu.memref_squeeze %dma_wait3A_663 : memref<1x200x64xf32, #tpu.memory_space<vmem>> -> memref<200x64xf32, #tpu.memory_space<vmem>>
      %dma_wait3A_665 = arith.constant 0 : i32
      %dma_wait3A_666 = tpu.memref_slice %arg4[%mul3A_2, %dma_wait3A_665] : memref<819200x128xf32, #tpu.memory_space<hbm>> -> memref<200x64xf32, #tpu.memory_space<hbm>>
      %dma_wait3A_667 = tpu.memref_slice %arg8[%dma_wait3A_660] : memref<8x!tpu.dma_semaphore, #tpu.memory_space<semaphore_mem>> -> memref<1x!tpu.dma_semaphore, #tpu.memory_space<semaphore_mem>>
      %dma_wait3A_668 = tpu.memref_squeeze %dma_wait3A_667 : memref<1x!tpu.dma_semaphore, #tpu.memory_space<semaphore_mem>> -> memref<!tpu.dma_semaphore, #tpu.memory_space<semaphore_mem>>
      %dma_wait3A_669 = arith.constant 0 : i32
      %dma_wait3A_670 = tpu.memref_slice %arg4[%mul3A_2, %dma_wait3A_669] : memref<819200x128xf32, #tpu.memory_space<hbm>> -> memref<200x64xf32, #tpu.memory_space<hbm>>
      %dma_wait3A_671 = arith.constant 0 : i32
      %dma_wait3A_672 = arith.constant 0 : i32
      %dma_wait3A_673 = tpu.memref_slice %arg6[%dma_wait3A_659, %dma_wait3A_671, %dma_wait3A_672] : memref<8x200x64xf32, #tpu.memory_space<vmem>> -> memref<1x200x64xf32, #tpu.memory_space<vmem>>
      %dma_wait3A_674 = tpu.memref_squeeze %dma_wait3A_673 : memref<1x200x64xf32, #tpu.memory_space<vmem>> -> memref<200x64xf32, #tpu.memory_space<vmem>>
      tpu.wait_dma2 semaphore(%dma_wait3A_668 : memref<!tpu.dma_semaphore, #tpu.memory_space<semaphore_mem>>) src(%dma_wait3A_674 : memref<200x64xf32, #tpu.memory_space<vmem>>) dst(%dma_wait3A_670 : memref<200x64xf32, #tpu.memory_space<hbm>>)
      %add3A_675 = arith.constant 8 : i32
      %add3A_676 = arith.addi %add3A_626, %add3A_675 : i32
      %mul3A_677 = arith.constant 200 : i32
      %mul3A_678 = arith.muli %add3A_676, %mul3A_677 : i32
      %dma_start3A_679 = arith.constant 2 : i32
      %dma_start3A_680 = arith.constant 2 : i32
      %dma_start3A_681 = arith.constant 0 : i32
      %dma_start3A_682 = arith.constant 0 : i32
      %dma_start3A_683 = tpu.memref_slice %arg6[%dma_start3A_679, %dma_start3A_681, %dma_start3A_682] : memref<8x200x64xf32, #tpu.memory_space<vmem>> -> memref<1x200x64xf32, #tpu.memory_space<vmem>>
      %dma_start3A_684 = tpu.memref_squeeze %dma_start3A_683 : memref<1x200x64xf32, #tpu.memory_space<vmem>> -> memref<200x64xf32, #tpu.memory_space<vmem>>
      %dma_start3A_685 = tpu.memref_slice %arg5[%mul3A_678] : memref<25600xi32, #tpu.memory_space<vmem>> -> memref<200xi32, #tpu.memory_space<vmem>>
      %dma_start3A_686 = arith.constant 0 : i32
      %dma_start3A_687 = arith.constant 0 : i32
      %dma_start3A_688 = tpu.memref_slice %arg2[%dma_start3A_686, %dma_start3A_687] : memref<1000000x64xf32, #tpu.memory_space<hbm>> -> memref<1000000x64xf32, #tpu.memory_space<hbm>>
      %dma_start3A_689 = tpu.memref_slice %arg7[%dma_start3A_680] : memref<8x!tpu.dma_semaphore, #tpu.memory_space<semaphore_mem>> -> memref<1x!tpu.dma_semaphore, #tpu.memory_space<semaphore_mem>>
      %dma_start3A_690 = tpu.memref_squeeze %dma_start3A_689 : memref<1x!tpu.dma_semaphore, #tpu.memory_space<semaphore_mem>> -> memref<!tpu.dma_semaphore, #tpu.memory_space<semaphore_mem>>
      tpu.enqueue_indirect_dma source(%dma_start3A_688 : memref<1000000x64xf32, #tpu.memory_space<hbm>>) target(%dma_start3A_684 : memref<200x64xf32, #tpu.memory_space<vmem>>) offsets(%dma_start3A_685 : memref<200xi32, #tpu.memory_space<vmem>>) semaphore(%dma_start3A_690 : memref<!tpu.dma_semaphore, #tpu.memory_space<semaphore_mem>>)
      %mul3A_691 = arith.constant 8 : i32
      %mul3A_692 = arith.muli %scan3A_486, %mul3A_691 : i32
      %add3A_693 = arith.constant 3 : i32
      %add3A_694 = arith.addi %mul3A_692, %add3A_693 : i32
      %dma_wait3A_695 = arith.constant 3 : i32
      %dma_wait3A_696 = arith.constant 3 : i32
      %dma_wait3A_697 = arith.constant 0 : i32
      %dma_wait3A_698 = arith.constant 0 : i32
      %dma_wait3A_699 = tpu.memref_slice %arg6[%dma_wait3A_695, %dma_wait3A_697, %dma_wait3A_698] : memref<8x200x64xf32, #tpu.memory_space<vmem>> -> memref<1x200x64xf32, #tpu.memory_space<vmem>>
      %dma_wait3A_700 = tpu.memref_squeeze %dma_wait3A_699 : memref<1x200x64xf32, #tpu.memory_space<vmem>> -> memref<200x64xf32, #tpu.memory_space<vmem>>
      %dma_wait3A_701 = arith.constant 0 : i32
      %dma_wait3A_702 = tpu.memref_slice %arg5[%dma_wait3A_701] : memref<25600xi32, #tpu.memory_space<vmem>> -> memref<200xi32, #tpu.memory_space<vmem>>
      %dma_wait3A_703 = arith.constant 0 : i32
      %dma_wait3A_704 = arith.constant 0 : i32
      %dma_wait3A_705 = tpu.memref_slice %arg2[%dma_wait3A_703, %dma_wait3A_704] : memref<1000000x64xf32, #tpu.memory_space<hbm>> -> memref<1000000x64xf32, #tpu.memory_space<hbm>>
      %dma_wait3A_706 = tpu.memref_slice %arg7[%dma_wait3A_696] : memref<8x!tpu.dma_semaphore, #tpu.memory_space<semaphore_mem>> -> memref<1x!tpu.dma_semaphore, #tpu.memory_space<semaphore_mem>>
      %dma_wait3A_707 = tpu.memref_squeeze %dma_wait3A_706 : memref<1x!tpu.dma_semaphore, #tpu.memory_space<semaphore_mem>> -> memref<!tpu.dma_semaphore, #tpu.memory_space<semaphore_mem>>
      tpu.wait_indirect_dma semaphore(%dma_wait3A_707 : memref<!tpu.dma_semaphore, #tpu.memory_space<semaphore_mem>>) src(%dma_wait3A_705 : memref<1000000x64xf32, #tpu.memory_space<hbm>>) dst(%dma_wait3A_700 : memref<200x64xf32, #tpu.memory_space<vmem>>)
      %mul3A_708 = arith.constant 200 : i32
      %mul3A_709 = arith.muli %add3A_694, %mul3A_708 : i32
      %add3A_710 = arith.addi %mul3A_2, %mul3A_709 : i32
      %dma_start3A_711 = arith.constant 3 : i32
      %dma_start3A_712 = arith.constant 3 : i32
      %dma_start3A_713 = arith.constant 0 : i32
      %dma_start3A_714 = arith.constant 0 : i32
      %dma_start3A_715 = tpu.memref_slice %arg6[%dma_start3A_711, %dma_start3A_713, %dma_start3A_714] : memref<8x200x64xf32, #tpu.memory_space<vmem>> -> memref<1x200x64xf32, #tpu.memory_space<vmem>>
      %dma_start3A_716 = tpu.memref_squeeze %dma_start3A_715 : memref<1x200x64xf32, #tpu.memory_space<vmem>> -> memref<200x64xf32, #tpu.memory_space<vmem>>
      %dma_start3A_717 = arith.constant 0 : i32
      %dma_start3A_718 = tpu.memref_slice %arg4[%add3A_710, %dma_start3A_717] : memref<819200x128xf32, #tpu.memory_space<hbm>> -> memref<200x64xf32, #tpu.memory_space<hbm>>
      %dma_start3A_719 = tpu.memref_slice %arg8[%dma_start3A_712] : memref<8x!tpu.dma_semaphore, #tpu.memory_space<semaphore_mem>> -> memref<1x!tpu.dma_semaphore, #tpu.memory_space<semaphore_mem>>
      %dma_start3A_720 = tpu.memref_squeeze %dma_start3A_719 : memref<1x!tpu.dma_semaphore, #tpu.memory_space<semaphore_mem>> -> memref<!tpu.dma_semaphore, #tpu.memory_space<semaphore_mem>>
      %dma_start3A_721 = arith.constant 0 : i32
      %dma_start3A_722 = tpu.memref_slice %arg4[%add3A_710, %dma_start3A_721] : memref<819200x128xf32, #tpu.memory_space<hbm>> -> memref<200x64xf32, #tpu.memory_space<hbm>>
      %dma_start3A_723 = arith.constant 0 : i32
      %dma_start3A_724 = arith.constant 0 : i32
      %dma_start3A_725 = tpu.memref_slice %arg6[%dma_start3A_711, %dma_start3A_723, %dma_start3A_724] : memref<8x200x64xf32, #tpu.memory_space<vmem>> -> memref<1x200x64xf32, #tpu.memory_space<vmem>>
      %dma_start3A_726 = tpu.memref_squeeze %dma_start3A_725 : memref<1x200x64xf32, #tpu.memory_space<vmem>> -> memref<200x64xf32, #tpu.memory_space<vmem>>
      tpu.enqueue_dma source(%dma_start3A_726 : memref<200x64xf32, #tpu.memory_space<vmem>>) target(%dma_start3A_722 : memref<200x64xf32, #tpu.memory_space<hbm>>) target_semaphore(%dma_start3A_720 : memref<!tpu.dma_semaphore, #tpu.memory_space<semaphore_mem>>)
      %dma_wait3A_727 = arith.constant 3 : i32
      %dma_wait3A_728 = arith.constant 3 : i32
      %dma_wait3A_729 = arith.constant 0 : i32
      %dma_wait3A_730 = arith.constant 0 : i32
      %dma_wait3A_731 = tpu.memref_slice %arg6[%dma_wait3A_727, %dma_wait3A_729, %dma_wait3A_730] : memref<8x200x64xf32, #tpu.memory_space<vmem>> -> memref<1x200x64xf32, #tpu.memory_space<vmem>>
      %dma_wait3A_732 = tpu.memref_squeeze %dma_wait3A_731 : memref<1x200x64xf32, #tpu.memory_space<vmem>> -> memref<200x64xf32, #tpu.memory_space<vmem>>
      %dma_wait3A_733 = arith.constant 0 : i32
      %dma_wait3A_734 = tpu.memref_slice %arg4[%mul3A_2, %dma_wait3A_733] : memref<819200x128xf32, #tpu.memory_space<hbm>> -> memref<200x64xf32, #tpu.memory_space<hbm>>
      %dma_wait3A_735 = tpu.memref_slice %arg8[%dma_wait3A_728] : memref<8x!tpu.dma_semaphore, #tpu.memory_space<semaphore_mem>> -> memref<1x!tpu.dma_semaphore, #tpu.memory_space<semaphore_mem>>
      %dma_wait3A_736 = tpu.memref_squeeze %dma_wait3A_735 : memref<1x!tpu.dma_semaphore, #tpu.memory_space<semaphore_mem>> -> memref<!tpu.dma_semaphore, #tpu.memory_space<semaphore_mem>>
      %dma_wait3A_737 = arith.constant 0 : i32
      %dma_wait3A_738 = tpu.memref_slice %arg4[%mul3A_2, %dma_wait3A_737] : memref<819200x128xf32, #tpu.memory_space<hbm>> -> memref<200x64xf32, #tpu.memory_space<hbm>>
      %dma_wait3A_739 = arith.constant 0 : i32
      %dma_wait3A_740 = arith.constant 0 : i32
      %dma_wait3A_741 = tpu.memref_slice %arg6[%dma_wait3A_727, %dma_wait3A_739, %dma_wait3A_740] : memref<8x200x64xf32, #tpu.memory_space<vmem>> -> memref<1x200x64xf32, #tpu.memory_space<vmem>>
      %dma_wait3A_742 = tpu.memref_squeeze %dma_wait3A_741 : memref<1x200x64xf32, #tpu.memory_space<vmem>> -> memref<200x64xf32, #tpu.memory_space<vmem>>
      tpu.wait_dma2 semaphore(%dma_wait3A_736 : memref<!tpu.dma_semaphore, #tpu.memory_space<semaphore_mem>>) src(%dma_wait3A_742 : memref<200x64xf32, #tpu.memory_space<vmem>>) dst(%dma_wait3A_738 : memref<200x64xf32, #tpu.memory_space<hbm>>)
      %add3A_743 = arith.constant 8 : i32
      %add3A_744 = arith.addi %add3A_694, %add3A_743 : i32
      %mul3A_745 = arith.constant 200 : i32
      %mul3A_746 = arith.muli %add3A_744, %mul3A_745 : i32
      %dma_start3A_747 = arith.constant 3 : i32
      %dma_start3A_748 = arith.constant 3 : i32
      %dma_start3A_749 = arith.constant 0 : i32
      %dma_start3A_750 = arith.constant 0 : i32
      %dma_start3A_751 = tpu.memref_slice %arg6[%dma_start3A_747, %dma_start3A_749, %dma_start3A_750] : memref<8x200x64xf32, #tpu.memory_space<vmem>> -> memref<1x200x64xf32, #tpu.memory_space<vmem>>
      %dma_start3A_752 = tpu.memref_squeeze %dma_start3A_751 : memref<1x200x64xf32, #tpu.memory_space<vmem>> -> memref<200x64xf32, #tpu.memory_space<vmem>>
      %dma_start3A_753 = tpu.memref_slice %arg5[%mul3A_746] : memref<25600xi32, #tpu.memory_space<vmem>> -> memref<200xi32, #tpu.memory_space<vmem>>
      %dma_start3A_754 = arith.constant 0 : i32
      %dma_start3A_755 = arith.constant 0 : i32
      %dma_start3A_756 = tpu.memref_slice %arg2[%dma_start3A_754, %dma_start3A_755] : memref<1000000x64xf32, #tpu.memory_space<hbm>> -> memref<1000000x64xf32, #tpu.memory_space<hbm>>
      %dma_start3A_757 = tpu.memref_slice %arg7[%dma_start3A_748] : memref<8x!tpu.dma_semaphore, #tpu.memory_space<semaphore_mem>> -> memref<1x!tpu.dma_semaphore, #tpu.memory_space<semaphore_mem>>
      %dma_start3A_758 = tpu.memref_squeeze %dma_start3A_757 : memref<1x!tpu.dma_semaphore, #tpu.memory_space<semaphore_mem>> -> memref<!tpu.dma_semaphore, #tpu.memory_space<semaphore_mem>>
      tpu.enqueue_indirect_dma source(%dma_start3A_756 : memref<1000000x64xf32, #tpu.memory_space<hbm>>) target(%dma_start3A_752 : memref<200x64xf32, #tpu.memory_space<vmem>>) offsets(%dma_start3A_753 : memref<200xi32, #tpu.memory_space<vmem>>) semaphore(%dma_start3A_758 : memref<!tpu.dma_semaphore, #tpu.memory_space<semaphore_mem>>)
      %mul3A_759 = arith.constant 8 : i32
      %mul3A_760 = arith.muli %scan3A_486, %mul3A_759 : i32
      %add3A_761 = arith.constant 4 : i32
      %add3A_762 = arith.addi %mul3A_760, %add3A_761 : i32
      %dma_wait3A_763 = arith.constant 4 : i32
      %dma_wait3A_764 = arith.constant 4 : i32
      %dma_wait3A_765 = arith.constant 0 : i32
      %dma_wait3A_766 = arith.constant 0 : i32
      %dma_wait3A_767 = tpu.memref_slice %arg6[%dma_wait3A_763, %dma_wait3A_765, %dma_wait3A_766] : memref<8x200x64xf32, #tpu.memory_space<vmem>> -> memref<1x200x64xf32, #tpu.memory_space<vmem>>
      %dma_wait3A_768 = tpu.memref_squeeze %dma_wait3A_767 : memref<1x200x64xf32, #tpu.memory_space<vmem>> -> memref<200x64xf32, #tpu.memory_space<vmem>>
      %dma_wait3A_769 = arith.constant 0 : i32
      %dma_wait3A_770 = tpu.memref_slice %arg5[%dma_wait3A_769] : memref<25600xi32, #tpu.memory_space<vmem>> -> memref<200xi32, #tpu.memory_space<vmem>>
      %dma_wait3A_771 = arith.constant 0 : i32
      %dma_wait3A_772 = arith.constant 0 : i32
      %dma_wait3A_773 = tpu.memref_slice %arg2[%dma_wait3A_771, %dma_wait3A_772] : memref<1000000x64xf32, #tpu.memory_space<hbm>> -> memref<1000000x64xf32, #tpu.memory_space<hbm>>
      %dma_wait3A_774 = tpu.memref_slice %arg7[%dma_wait3A_764] : memref<8x!tpu.dma_semaphore, #tpu.memory_space<semaphore_mem>> -> memref<1x!tpu.dma_semaphore, #tpu.memory_space<semaphore_mem>>
      %dma_wait3A_775 = tpu.memref_squeeze %dma_wait3A_774 : memref<1x!tpu.dma_semaphore, #tpu.memory_space<semaphore_mem>> -> memref<!tpu.dma_semaphore, #tpu.memory_space<semaphore_mem>>
      tpu.wait_indirect_dma semaphore(%dma_wait3A_775 : memref<!tpu.dma_semaphore, #tpu.memory_space<semaphore_mem>>) src(%dma_wait3A_773 : memref<1000000x64xf32, #tpu.memory_space<hbm>>) dst(%dma_wait3A_768 : memref<200x64xf32, #tpu.memory_space<vmem>>)
      %mul3A_776 = arith.constant 200 : i32
      %mul3A_777 = arith.muli %add3A_762, %mul3A_776 : i32
      %add3A_778 = arith.addi %mul3A_2, %mul3A_777 : i32
      %dma_start3A_779 = arith.constant 4 : i32
      %dma_start3A_780 = arith.constant 4 : i32
      %dma_start3A_781 = arith.constant 0 : i32
      %dma_start3A_782 = arith.constant 0 : i32
      %dma_start3A_783 = tpu.memref_slice %arg6[%dma_start3A_779, %dma_start3A_781, %dma_start3A_782] : memref<8x200x64xf32, #tpu.memory_space<vmem>> -> memref<1x200x64xf32, #tpu.memory_space<vmem>>
      %dma_start3A_784 = tpu.memref_squeeze %dma_start3A_783 : memref<1x200x64xf32, #tpu.memory_space<vmem>> -> memref<200x64xf32, #tpu.memory_space<vmem>>
      %dma_start3A_785 = arith.constant 0 : i32
      %dma_start3A_786 = tpu.memref_slice %arg4[%add3A_778, %dma_start3A_785] : memref<819200x128xf32, #tpu.memory_space<hbm>> -> memref<200x64xf32, #tpu.memory_space<hbm>>
      %dma_start3A_787 = tpu.memref_slice %arg8[%dma_start3A_780] : memref<8x!tpu.dma_semaphore, #tpu.memory_space<semaphore_mem>> -> memref<1x!tpu.dma_semaphore, #tpu.memory_space<semaphore_mem>>
      %dma_start3A_788 = tpu.memref_squeeze %dma_start3A_787 : memref<1x!tpu.dma_semaphore, #tpu.memory_space<semaphore_mem>> -> memref<!tpu.dma_semaphore, #tpu.memory_space<semaphore_mem>>
      %dma_start3A_789 = arith.constant 0 : i32
      %dma_start3A_790 = tpu.memref_slice %arg4[%add3A_778, %dma_start3A_789] : memref<819200x128xf32, #tpu.memory_space<hbm>> -> memref<200x64xf32, #tpu.memory_space<hbm>>
      %dma_start3A_791 = arith.constant 0 : i32
      %dma_start3A_792 = arith.constant 0 : i32
      %dma_start3A_793 = tpu.memref_slice %arg6[%dma_start3A_779, %dma_start3A_791, %dma_start3A_792] : memref<8x200x64xf32, #tpu.memory_space<vmem>> -> memref<1x200x64xf32, #tpu.memory_space<vmem>>
      %dma_start3A_794 = tpu.memref_squeeze %dma_start3A_793 : memref<1x200x64xf32, #tpu.memory_space<vmem>> -> memref<200x64xf32, #tpu.memory_space<vmem>>
      tpu.enqueue_dma source(%dma_start3A_794 : memref<200x64xf32, #tpu.memory_space<vmem>>) target(%dma_start3A_790 : memref<200x64xf32, #tpu.memory_space<hbm>>) target_semaphore(%dma_start3A_788 : memref<!tpu.dma_semaphore, #tpu.memory_space<semaphore_mem>>)
      %dma_wait3A_795 = arith.constant 4 : i32
      %dma_wait3A_796 = arith.constant 4 : i32
      %dma_wait3A_797 = arith.constant 0 : i32
      %dma_wait3A_798 = arith.constant 0 : i32
      %dma_wait3A_799 = tpu.memref_slice %arg6[%dma_wait3A_795, %dma_wait3A_797, %dma_wait3A_798] : memref<8x200x64xf32, #tpu.memory_space<vmem>> -> memref<1x200x64xf32, #tpu.memory_space<vmem>>
      %dma_wait3A_800 = tpu.memref_squeeze %dma_wait3A_799 : memref<1x200x64xf32, #tpu.memory_space<vmem>> -> memref<200x64xf32, #tpu.memory_space<vmem>>
      %dma_wait3A_801 = arith.constant 0 : i32
      %dma_wait3A_802 = tpu.memref_slice %arg4[%mul3A_2, %dma_wait3A_801] : memref<819200x128xf32, #tpu.memory_space<hbm>> -> memref<200x64xf32, #tpu.memory_space<hbm>>
      %dma_wait3A_803 = tpu.memref_slice %arg8[%dma_wait3A_796] : memref<8x!tpu.dma_semaphore, #tpu.memory_space<semaphore_mem>> -> memref<1x!tpu.dma_semaphore, #tpu.memory_space<semaphore_mem>>
      %dma_wait3A_804 = tpu.memref_squeeze %dma_wait3A_803 : memref<1x!tpu.dma_semaphore, #tpu.memory_space<semaphore_mem>> -> memref<!tpu.dma_semaphore, #tpu.memory_space<semaphore_mem>>
      %dma_wait3A_805 = arith.constant 0 : i32
      %dma_wait3A_806 = tpu.memref_slice %arg4[%mul3A_2, %dma_wait3A_805] : memref<819200x128xf32, #tpu.memory_space<hbm>> -> memref<200x64xf32, #tpu.memory_space<hbm>>
      %dma_wait3A_807 = arith.constant 0 : i32
      %dma_wait3A_808 = arith.constant 0 : i32
      %dma_wait3A_809 = tpu.memref_slice %arg6[%dma_wait3A_795, %dma_wait3A_807, %dma_wait3A_808] : memref<8x200x64xf32, #tpu.memory_space<vmem>> -> memref<1x200x64xf32, #tpu.memory_space<vmem>>
      %dma_wait3A_810 = tpu.memref_squeeze %dma_wait3A_809 : memref<1x200x64xf32, #tpu.memory_space<vmem>> -> memref<200x64xf32, #tpu.memory_space<vmem>>
      tpu.wait_dma2 semaphore(%dma_wait3A_804 : memref<!tpu.dma_semaphore, #tpu.memory_space<semaphore_mem>>) src(%dma_wait3A_810 : memref<200x64xf32, #tpu.memory_space<vmem>>) dst(%dma_wait3A_806 : memref<200x64xf32, #tpu.memory_space<hbm>>)
      %add3A_811 = arith.constant 8 : i32
      %add3A_812 = arith.addi %add3A_762, %add3A_811 : i32
      %mul3A_813 = arith.constant 200 : i32
      %mul3A_814 = arith.muli %add3A_812, %mul3A_813 : i32
      %dma_start3A_815 = arith.constant 4 : i32
      %dma_start3A_816 = arith.constant 4 : i32
      %dma_start3A_817 = arith.constant 0 : i32
      %dma_start3A_818 = arith.constant 0 : i32
      %dma_start3A_819 = tpu.memref_slice %arg6[%dma_start3A_815, %dma_start3A_817, %dma_start3A_818] : memref<8x200x64xf32, #tpu.memory_space<vmem>> -> memref<1x200x64xf32, #tpu.memory_space<vmem>>
      %dma_start3A_820 = tpu.memref_squeeze %dma_start3A_819 : memref<1x200x64xf32, #tpu.memory_space<vmem>> -> memref<200x64xf32, #tpu.memory_space<vmem>>
      %dma_start3A_821 = tpu.memref_slice %arg5[%mul3A_814] : memref<25600xi32, #tpu.memory_space<vmem>> -> memref<200xi32, #tpu.memory_space<vmem>>
      %dma_start3A_822 = arith.constant 0 : i32
      %dma_start3A_823 = arith.constant 0 : i32
      %dma_start3A_824 = tpu.memref_slice %arg2[%dma_start3A_822, %dma_start3A_823] : memref<1000000x64xf32, #tpu.memory_space<hbm>> -> memref<1000000x64xf32, #tpu.memory_space<hbm>>
      %dma_start3A_825 = tpu.memref_slice %arg7[%dma_start3A_816] : memref<8x!tpu.dma_semaphore, #tpu.memory_space<semaphore_mem>> -> memref<1x!tpu.dma_semaphore, #tpu.memory_space<semaphore_mem>>
      %dma_start3A_826 = tpu.memref_squeeze %dma_start3A_825 : memref<1x!tpu.dma_semaphore, #tpu.memory_space<semaphore_mem>> -> memref<!tpu.dma_semaphore, #tpu.memory_space<semaphore_mem>>
      tpu.enqueue_indirect_dma source(%dma_start3A_824 : memref<1000000x64xf32, #tpu.memory_space<hbm>>) target(%dma_start3A_820 : memref<200x64xf32, #tpu.memory_space<vmem>>) offsets(%dma_start3A_821 : memref<200xi32, #tpu.memory_space<vmem>>) semaphore(%dma_start3A_826 : memref<!tpu.dma_semaphore, #tpu.memory_space<semaphore_mem>>)
      %mul3A_827 = arith.constant 8 : i32
      %mul3A_828 = arith.muli %scan3A_486, %mul3A_827 : i32
      %add3A_829 = arith.constant 5 : i32
      %add3A_830 = arith.addi %mul3A_828, %add3A_829 : i32
      %dma_wait3A_831 = arith.constant 5 : i32
      %dma_wait3A_832 = arith.constant 5 : i32
      %dma_wait3A_833 = arith.constant 0 : i32
      %dma_wait3A_834 = arith.constant 0 : i32
      %dma_wait3A_835 = tpu.memref_slice %arg6[%dma_wait3A_831, %dma_wait3A_833, %dma_wait3A_834] : memref<8x200x64xf32, #tpu.memory_space<vmem>> -> memref<1x200x64xf32, #tpu.memory_space<vmem>>
      %dma_wait3A_836 = tpu.memref_squeeze %dma_wait3A_835 : memref<1x200x64xf32, #tpu.memory_space<vmem>> -> memref<200x64xf32, #tpu.memory_space<vmem>>
      %dma_wait3A_837 = arith.constant 0 : i32
      %dma_wait3A_838 = tpu.memref_slice %arg5[%dma_wait3A_837] : memref<25600xi32, #tpu.memory_space<vmem>> -> memref<200xi32, #tpu.memory_space<vmem>>
      %dma_wait3A_839 = arith.constant 0 : i32
      %dma_wait3A_840 = arith.constant 0 : i32
      %dma_wait3A_841 = tpu.memref_slice %arg2[%dma_wait3A_839, %dma_wait3A_840] : memref<1000000x64xf32, #tpu.memory_space<hbm>> -> memref<1000000x64xf32, #tpu.memory_space<hbm>>
      %dma_wait3A_842 = tpu.memref_slice %arg7[%dma_wait3A_832] : memref<8x!tpu.dma_semaphore, #tpu.memory_space<semaphore_mem>> -> memref<1x!tpu.dma_semaphore, #tpu.memory_space<semaphore_mem>>
      %dma_wait3A_843 = tpu.memref_squeeze %dma_wait3A_842 : memref<1x!tpu.dma_semaphore, #tpu.memory_space<semaphore_mem>> -> memref<!tpu.dma_semaphore, #tpu.memory_space<semaphore_mem>>
      tpu.wait_indirect_dma semaphore(%dma_wait3A_843 : memref<!tpu.dma_semaphore, #tpu.memory_space<semaphore_mem>>) src(%dma_wait3A_841 : memref<1000000x64xf32, #tpu.memory_space<hbm>>) dst(%dma_wait3A_836 : memref<200x64xf32, #tpu.memory_space<vmem>>)
      %mul3A_844 = arith.constant 200 : i32
      %mul3A_845 = arith.muli %add3A_830, %mul3A_844 : i32
      %add3A_846 = arith.addi %mul3A_2, %mul3A_845 : i32
      %dma_start3A_847 = arith.constant 5 : i32
      %dma_start3A_848 = arith.constant 5 : i32
      %dma_start3A_849 = arith.constant 0 : i32
      %dma_start3A_850 = arith.constant 0 : i32
      %dma_start3A_851 = tpu.memref_slice %arg6[%dma_start3A_847, %dma_start3A_849, %dma_start3A_850] : memref<8x200x64xf32, #tpu.memory_space<vmem>> -> memref<1x200x64xf32, #tpu.memory_space<vmem>>
      %dma_start3A_852 = tpu.memref_squeeze %dma_start3A_851 : memref<1x200x64xf32, #tpu.memory_space<vmem>> -> memref<200x64xf32, #tpu.memory_space<vmem>>
      %dma_start3A_853 = arith.constant 0 : i32
      %dma_start3A_854 = tpu.memref_slice %arg4[%add3A_846, %dma_start3A_853] : memref<819200x128xf32, #tpu.memory_space<hbm>> -> memref<200x64xf32, #tpu.memory_space<hbm>>
      %dma_start3A_855 = tpu.memref_slice %arg8[%dma_start3A_848] : memref<8x!tpu.dma_semaphore, #tpu.memory_space<semaphore_mem>> -> memref<1x!tpu.dma_semaphore, #tpu.memory_space<semaphore_mem>>
      %dma_start3A_856 = tpu.memref_squeeze %dma_start3A_855 : memref<1x!tpu.dma_semaphore, #tpu.memory_space<semaphore_mem>> -> memref<!tpu.dma_semaphore, #tpu.memory_space<semaphore_mem>>
      %dma_start3A_857 = arith.constant 0 : i32
      %dma_start3A_858 = tpu.memref_slice %arg4[%add3A_846, %dma_start3A_857] : memref<819200x128xf32, #tpu.memory_space<hbm>> -> memref<200x64xf32, #tpu.memory_space<hbm>>
      %dma_start3A_859 = arith.constant 0 : i32
      %dma_start3A_860 = arith.constant 0 : i32
      %dma_start3A_861 = tpu.memref_slice %arg6[%dma_start3A_847, %dma_start3A_859, %dma_start3A_860] : memref<8x200x64xf32, #tpu.memory_space<vmem>> -> memref<1x200x64xf32, #tpu.memory_space<vmem>>
      %dma_start3A_862 = tpu.memref_squeeze %dma_start3A_861 : memref<1x200x64xf32, #tpu.memory_space<vmem>> -> memref<200x64xf32, #tpu.memory_space<vmem>>
      tpu.enqueue_dma source(%dma_start3A_862 : memref<200x64xf32, #tpu.memory_space<vmem>>) target(%dma_start3A_858 : memref<200x64xf32, #tpu.memory_space<hbm>>) target_semaphore(%dma_start3A_856 : memref<!tpu.dma_semaphore, #tpu.memory_space<semaphore_mem>>)
      %dma_wait3A_863 = arith.constant 5 : i32
      %dma_wait3A_864 = arith.constant 5 : i32
      %dma_wait3A_865 = arith.constant 0 : i32
      %dma_wait3A_866 = arith.constant 0 : i32
      %dma_wait3A_867 = tpu.memref_slice %arg6[%dma_wait3A_863, %dma_wait3A_865, %dma_wait3A_866] : memref<8x200x64xf32, #tpu.memory_space<vmem>> -> memref<1x200x64xf32, #tpu.memory_space<vmem>>
      %dma_wait3A_868 = tpu.memref_squeeze %dma_wait3A_867 : memref<1x200x64xf32, #tpu.memory_space<vmem>> -> memref<200x64xf32, #tpu.memory_space<vmem>>
      %dma_wait3A_869 = arith.constant 0 : i32
      %dma_wait3A_870 = tpu.memref_slice %arg4[%mul3A_2, %dma_wait3A_869] : memref<819200x128xf32, #tpu.memory_space<hbm>> -> memref<200x64xf32, #tpu.memory_space<hbm>>
      %dma_wait3A_871 = tpu.memref_slice %arg8[%dma_wait3A_864] : memref<8x!tpu.dma_semaphore, #tpu.memory_space<semaphore_mem>> -> memref<1x!tpu.dma_semaphore, #tpu.memory_space<semaphore_mem>>
      %dma_wait3A_872 = tpu.memref_squeeze %dma_wait3A_871 : memref<1x!tpu.dma_semaphore, #tpu.memory_space<semaphore_mem>> -> memref<!tpu.dma_semaphore, #tpu.memory_space<semaphore_mem>>
      %dma_wait3A_873 = arith.constant 0 : i32
      %dma_wait3A_874 = tpu.memref_slice %arg4[%mul3A_2, %dma_wait3A_873] : memref<819200x128xf32, #tpu.memory_space<hbm>> -> memref<200x64xf32, #tpu.memory_space<hbm>>
      %dma_wait3A_875 = arith.constant 0 : i32
      %dma_wait3A_876 = arith.constant 0 : i32
      %dma_wait3A_877 = tpu.memref_slice %arg6[%dma_wait3A_863, %dma_wait3A_875, %dma_wait3A_876] : memref<8x200x64xf32, #tpu.memory_space<vmem>> -> memref<1x200x64xf32, #tpu.memory_space<vmem>>
      %dma_wait3A_878 = tpu.memref_squeeze %dma_wait3A_877 : memref<1x200x64xf32, #tpu.memory_space<vmem>> -> memref<200x64xf32, #tpu.memory_space<vmem>>
      tpu.wait_dma2 semaphore(%dma_wait3A_872 : memref<!tpu.dma_semaphore, #tpu.memory_space<semaphore_mem>>) src(%dma_wait3A_878 : memref<200x64xf32, #tpu.memory_space<vmem>>) dst(%dma_wait3A_874 : memref<200x64xf32, #tpu.memory_space<hbm>>)
      %add3A_879 = arith.constant 8 : i32
      %add3A_880 = arith.addi %add3A_830, %add3A_879 : i32
      %mul3A_881 = arith.constant 200 : i32
      %mul3A_882 = arith.muli %add3A_880, %mul3A_881 : i32
      %dma_start3A_883 = arith.constant 5 : i32
      %dma_start3A_884 = arith.constant 5 : i32
      %dma_start3A_885 = arith.constant 0 : i32
      %dma_start3A_886 = arith.constant 0 : i32
      %dma_start3A_887 = tpu.memref_slice %arg6[%dma_start3A_883, %dma_start3A_885, %dma_start3A_886] : memref<8x200x64xf32, #tpu.memory_space<vmem>> -> memref<1x200x64xf32, #tpu.memory_space<vmem>>
      %dma_start3A_888 = tpu.memref_squeeze %dma_start3A_887 : memref<1x200x64xf32, #tpu.memory_space<vmem>> -> memref<200x64xf32, #tpu.memory_space<vmem>>
      %dma_start3A_889 = tpu.memref_slice %arg5[%mul3A_882] : memref<25600xi32, #tpu.memory_space<vmem>> -> memref<200xi32, #tpu.memory_space<vmem>>
      %dma_start3A_890 = arith.constant 0 : i32
      %dma_start3A_891 = arith.constant 0 : i32
      %dma_start3A_892 = tpu.memref_slice %arg2[%dma_start3A_890, %dma_start3A_891] : memref<1000000x64xf32, #tpu.memory_space<hbm>> -> memref<1000000x64xf32, #tpu.memory_space<hbm>>
      %dma_start3A_893 = tpu.memref_slice %arg7[%dma_start3A_884] : memref<8x!tpu.dma_semaphore, #tpu.memory_space<semaphore_mem>> -> memref<1x!tpu.dma_semaphore, #tpu.memory_space<semaphore_mem>>
      %dma_start3A_894 = tpu.memref_squeeze %dma_start3A_893 : memref<1x!tpu.dma_semaphore, #tpu.memory_space<semaphore_mem>> -> memref<!tpu.dma_semaphore, #tpu.memory_space<semaphore_mem>>
      tpu.enqueue_indirect_dma source(%dma_start3A_892 : memref<1000000x64xf32, #tpu.memory_space<hbm>>) target(%dma_start3A_888 : memref<200x64xf32, #tpu.memory_space<vmem>>) offsets(%dma_start3A_889 : memref<200xi32, #tpu.memory_space<vmem>>) semaphore(%dma_start3A_894 : memref<!tpu.dma_semaphore, #tpu.memory_space<semaphore_mem>>)
      %mul3A_895 = arith.constant 8 : i32
      %mul3A_896 = arith.muli %scan3A_486, %mul3A_895 : i32
      %add3A_897 = arith.constant 6 : i32
      %add3A_898 = arith.addi %mul3A_896, %add3A_897 : i32
      %dma_wait3A_899 = arith.constant 6 : i32
      %dma_wait3A_900 = arith.constant 6 : i32
      %dma_wait3A_901 = arith.constant 0 : i32
      %dma_wait3A_902 = arith.constant 0 : i32
      %dma_wait3A_903 = tpu.memref_slice %arg6[%dma_wait3A_899, %dma_wait3A_901, %dma_wait3A_902] : memref<8x200x64xf32, #tpu.memory_space<vmem>> -> memref<1x200x64xf32, #tpu.memory_space<vmem>>
      %dma_wait3A_904 = tpu.memref_squeeze %dma_wait3A_903 : memref<1x200x64xf32, #tpu.memory_space<vmem>> -> memref<200x64xf32, #tpu.memory_space<vmem>>
      %dma_wait3A_905 = arith.constant 0 : i32
      %dma_wait3A_906 = tpu.memref_slice %arg5[%dma_wait3A_905] : memref<25600xi32, #tpu.memory_space<vmem>> -> memref<200xi32, #tpu.memory_space<vmem>>
      %dma_wait3A_907 = arith.constant 0 : i32
      %dma_wait3A_908 = arith.constant 0 : i32
      %dma_wait3A_909 = tpu.memref_slice %arg2[%dma_wait3A_907, %dma_wait3A_908] : memref<1000000x64xf32, #tpu.memory_space<hbm>> -> memref<1000000x64xf32, #tpu.memory_space<hbm>>
      %dma_wait3A_910 = tpu.memref_slice %arg7[%dma_wait3A_900] : memref<8x!tpu.dma_semaphore, #tpu.memory_space<semaphore_mem>> -> memref<1x!tpu.dma_semaphore, #tpu.memory_space<semaphore_mem>>
      %dma_wait3A_911 = tpu.memref_squeeze %dma_wait3A_910 : memref<1x!tpu.dma_semaphore, #tpu.memory_space<semaphore_mem>> -> memref<!tpu.dma_semaphore, #tpu.memory_space<semaphore_mem>>
      tpu.wait_indirect_dma semaphore(%dma_wait3A_911 : memref<!tpu.dma_semaphore, #tpu.memory_space<semaphore_mem>>) src(%dma_wait3A_909 : memref<1000000x64xf32, #tpu.memory_space<hbm>>) dst(%dma_wait3A_904 : memref<200x64xf32, #tpu.memory_space<vmem>>)
      %mul3A_912 = arith.constant 200 : i32
      %mul3A_913 = arith.muli %add3A_898, %mul3A_912 : i32
      %add3A_914 = arith.addi %mul3A_2, %mul3A_913 : i32
      %dma_start3A_915 = arith.constant 6 : i32
      %dma_start3A_916 = arith.constant 6 : i32
      %dma_start3A_917 = arith.constant 0 : i32
      %dma_start3A_918 = arith.constant 0 : i32
      %dma_start3A_919 = tpu.memref_slice %arg6[%dma_start3A_915, %dma_start3A_917, %dma_start3A_918] : memref<8x200x64xf32, #tpu.memory_space<vmem>> -> memref<1x200x64xf32, #tpu.memory_space<vmem>>
      %dma_start3A_920 = tpu.memref_squeeze %dma_start3A_919 : memref<1x200x64xf32, #tpu.memory_space<vmem>> -> memref<200x64xf32, #tpu.memory_space<vmem>>
      %dma_start3A_921 = arith.constant 0 : i32
      %dma_start3A_922 = tpu.memref_slice %arg4[%add3A_914, %dma_start3A_921] : memref<819200x128xf32, #tpu.memory_space<hbm>> -> memref<200x64xf32, #tpu.memory_space<hbm>>
      %dma_start3A_923 = tpu.memref_slice %arg8[%dma_start3A_916] : memref<8x!tpu.dma_semaphore, #tpu.memory_space<semaphore_mem>> -> memref<1x!tpu.dma_semaphore, #tpu.memory_space<semaphore_mem>>
      %dma_start3A_924 = tpu.memref_squeeze %dma_start3A_923 : memref<1x!tpu.dma_semaphore, #tpu.memory_space<semaphore_mem>> -> memref<!tpu.dma_semaphore, #tpu.memory_space<semaphore_mem>>
      %dma_start3A_925 = arith.constant 0 : i32
      %dma_start3A_926 = tpu.memref_slice %arg4[%add3A_914, %dma_start3A_925] : memref<819200x128xf32, #tpu.memory_space<hbm>> -> memref<200x64xf32, #tpu.memory_space<hbm>>
      %dma_start3A_927 = arith.constant 0 : i32
      %dma_start3A_928 = arith.constant 0 : i32
      %dma_start3A_929 = tpu.memref_slice %arg6[%dma_start3A_915, %dma_start3A_927, %dma_start3A_928] : memref<8x200x64xf32, #tpu.memory_space<vmem>> -> memref<1x200x64xf32, #tpu.memory_space<vmem>>
      %dma_start3A_930 = tpu.memref_squeeze %dma_start3A_929 : memref<1x200x64xf32, #tpu.memory_space<vmem>> -> memref<200x64xf32, #tpu.memory_space<vmem>>
      tpu.enqueue_dma source(%dma_start3A_930 : memref<200x64xf32, #tpu.memory_space<vmem>>) target(%dma_start3A_926 : memref<200x64xf32, #tpu.memory_space<hbm>>) target_semaphore(%dma_start3A_924 : memref<!tpu.dma_semaphore, #tpu.memory_space<semaphore_mem>>)
      %dma_wait3A_931 = arith.constant 6 : i32
      %dma_wait3A_932 = arith.constant 6 : i32
      %dma_wait3A_933 = arith.constant 0 : i32
      %dma_wait3A_934 = arith.constant 0 : i32
      %dma_wait3A_935 = tpu.memref_slice %arg6[%dma_wait3A_931, %dma_wait3A_933, %dma_wait3A_934] : memref<8x200x64xf32, #tpu.memory_space<vmem>> -> memref<1x200x64xf32, #tpu.memory_space<vmem>>
      %dma_wait3A_936 = tpu.memref_squeeze %dma_wait3A_935 : memref<1x200x64xf32, #tpu.memory_space<vmem>> -> memref<200x64xf32, #tpu.memory_space<vmem>>
      %dma_wait3A_937 = arith.constant 0 : i32
      %dma_wait3A_938 = tpu.memref_slice %arg4[%mul3A_2, %dma_wait3A_937] : memref<819200x128xf32, #tpu.memory_space<hbm>> -> memref<200x64xf32, #tpu.memory_space<hbm>>
      %dma_wait3A_939 = tpu.memref_slice %arg8[%dma_wait3A_932] : memref<8x!tpu.dma_semaphore, #tpu.memory_space<semaphore_mem>> -> memref<1x!tpu.dma_semaphore, #tpu.memory_space<semaphore_mem>>
      %dma_wait3A_940 = tpu.memref_squeeze %dma_wait3A_939 : memref<1x!tpu.dma_semaphore, #tpu.memory_space<semaphore_mem>> -> memref<!tpu.dma_semaphore, #tpu.memory_space<semaphore_mem>>
      %dma_wait3A_941 = arith.constant 0 : i32
      %dma_wait3A_942 = tpu.memref_slice %arg4[%mul3A_2, %dma_wait3A_941] : memref<819200x128xf32, #tpu.memory_space<hbm>> -> memref<200x64xf32, #tpu.memory_space<hbm>>
      %dma_wait3A_943 = arith.constant 0 : i32
      %dma_wait3A_944 = arith.constant 0 : i32
      %dma_wait3A_945 = tpu.memref_slice %arg6[%dma_wait3A_931, %dma_wait3A_943, %dma_wait3A_944] : memref<8x200x64xf32, #tpu.memory_space<vmem>> -> memref<1x200x64xf32, #tpu.memory_space<vmem>>
      %dma_wait3A_946 = tpu.memref_squeeze %dma_wait3A_945 : memref<1x200x64xf32, #tpu.memory_space<vmem>> -> memref<200x64xf32, #tpu.memory_space<vmem>>
      tpu.wait_dma2 semaphore(%dma_wait3A_940 : memref<!tpu.dma_semaphore, #tpu.memory_space<semaphore_mem>>) src(%dma_wait3A_946 : memref<200x64xf32, #tpu.memory_space<vmem>>) dst(%dma_wait3A_942 : memref<200x64xf32, #tpu.memory_space<hbm>>)
      %add3A_947 = arith.constant 8 : i32
      %add3A_948 = arith.addi %add3A_898, %add3A_947 : i32
      %mul3A_949 = arith.constant 200 : i32
      %mul3A_950 = arith.muli %add3A_948, %mul3A_949 : i32
      %dma_start3A_951 = arith.constant 6 : i32
      %dma_start3A_952 = arith.constant 6 : i32
      %dma_start3A_953 = arith.constant 0 : i32
      %dma_start3A_954 = arith.constant 0 : i32
      %dma_start3A_955 = tpu.memref_slice %arg6[%dma_start3A_951, %dma_start3A_953, %dma_start3A_954] : memref<8x200x64xf32, #tpu.memory_space<vmem>> -> memref<1x200x64xf32, #tpu.memory_space<vmem>>
      %dma_start3A_956 = tpu.memref_squeeze %dma_start3A_955 : memref<1x200x64xf32, #tpu.memory_space<vmem>> -> memref<200x64xf32, #tpu.memory_space<vmem>>
      %dma_start3A_957 = tpu.memref_slice %arg5[%mul3A_950] : memref<25600xi32, #tpu.memory_space<vmem>> -> memref<200xi32, #tpu.memory_space<vmem>>
      %dma_start3A_958 = arith.constant 0 : i32
      %dma_start3A_959 = arith.constant 0 : i32
      %dma_start3A_960 = tpu.memref_slice %arg2[%dma_start3A_958, %dma_start3A_959] : memref<1000000x64xf32, #tpu.memory_space<hbm>> -> memref<1000000x64xf32, #tpu.memory_space<hbm>>
      %dma_start3A_961 = tpu.memref_slice %arg7[%dma_start3A_952] : memref<8x!tpu.dma_semaphore, #tpu.memory_space<semaphore_mem>> -> memref<1x!tpu.dma_semaphore, #tpu.memory_space<semaphore_mem>>
      %dma_start3A_962 = tpu.memref_squeeze %dma_start3A_961 : memref<1x!tpu.dma_semaphore, #tpu.memory_space<semaphore_mem>> -> memref<!tpu.dma_semaphore, #tpu.memory_space<semaphore_mem>>
      tpu.enqueue_indirect_dma source(%dma_start3A_960 : memref<1000000x64xf32, #tpu.memory_space<hbm>>) target(%dma_start3A_956 : memref<200x64xf32, #tpu.memory_space<vmem>>) offsets(%dma_start3A_957 : memref<200xi32, #tpu.memory_space<vmem>>) semaphore(%dma_start3A_962 : memref<!tpu.dma_semaphore, #tpu.memory_space<semaphore_mem>>)
      %mul3A_963 = arith.constant 8 : i32
      %mul3A_964 = arith.muli %scan3A_486, %mul3A_963 : i32
      %add3A_965 = arith.constant 7 : i32
      %add3A_966 = arith.addi %mul3A_964, %add3A_965 : i32
      %dma_wait3A_967 = arith.constant 7 : i32
      %dma_wait3A_968 = arith.constant 7 : i32
      %dma_wait3A_969 = arith.constant 0 : i32
      %dma_wait3A_970 = arith.constant 0 : i32
      %dma_wait3A_971 = tpu.memref_slice %arg6[%dma_wait3A_967, %dma_wait3A_969, %dma_wait3A_970] : memref<8x200x64xf32, #tpu.memory_space<vmem>> -> memref<1x200x64xf32, #tpu.memory_space<vmem>>
      %dma_wait3A_972 = tpu.memref_squeeze %dma_wait3A_971 : memref<1x200x64xf32, #tpu.memory_space<vmem>> -> memref<200x64xf32, #tpu.memory_space<vmem>>
      %dma_wait3A_973 = arith.constant 0 : i32
      %dma_wait3A_974 = tpu.memref_slice %arg5[%dma_wait3A_973] : memref<25600xi32, #tpu.memory_space<vmem>> -> memref<200xi32, #tpu.memory_space<vmem>>
      %dma_wait3A_975 = arith.constant 0 : i32
      %dma_wait3A_976 = arith.constant 0 : i32
      %dma_wait3A_977 = tpu.memref_slice %arg2[%dma_wait3A_975, %dma_wait3A_976] : memref<1000000x64xf32, #tpu.memory_space<hbm>> -> memref<1000000x64xf32, #tpu.memory_space<hbm>>
      %dma_wait3A_978 = tpu.memref_slice %arg7[%dma_wait3A_968] : memref<8x!tpu.dma_semaphore, #tpu.memory_space<semaphore_mem>> -> memref<1x!tpu.dma_semaphore, #tpu.memory_space<semaphore_mem>>
      %dma_wait3A_979 = tpu.memref_squeeze %dma_wait3A_978 : memref<1x!tpu.dma_semaphore, #tpu.memory_space<semaphore_mem>> -> memref<!tpu.dma_semaphore, #tpu.memory_space<semaphore_mem>>
      tpu.wait_indirect_dma semaphore(%dma_wait3A_979 : memref<!tpu.dma_semaphore, #tpu.memory_space<semaphore_mem>>) src(%dma_wait3A_977 : memref<1000000x64xf32, #tpu.memory_space<hbm>>) dst(%dma_wait3A_972 : memref<200x64xf32, #tpu.memory_space<vmem>>)
      %mul3A_980 = arith.constant 200 : i32
      %mul3A_981 = arith.muli %add3A_966, %mul3A_980 : i32
      %add3A_982 = arith.addi %mul3A_2, %mul3A_981 : i32
      %dma_start3A_983 = arith.constant 7 : i32
      %dma_start3A_984 = arith.constant 7 : i32
      %dma_start3A_985 = arith.constant 0 : i32
      %dma_start3A_986 = arith.constant 0 : i32
      %dma_start3A_987 = tpu.memref_slice %arg6[%dma_start3A_983, %dma_start3A_985, %dma_start3A_986] : memref<8x200x64xf32, #tpu.memory_space<vmem>> -> memref<1x200x64xf32, #tpu.memory_space<vmem>>
      %dma_start3A_988 = tpu.memref_squeeze %dma_start3A_987 : memref<1x200x64xf32, #tpu.memory_space<vmem>> -> memref<200x64xf32, #tpu.memory_space<vmem>>
      %dma_start3A_989 = arith.constant 0 : i32
      %dma_start3A_990 = tpu.memref_slice %arg4[%add3A_982, %dma_start3A_989] : memref<819200x128xf32, #tpu.memory_space<hbm>> -> memref<200x64xf32, #tpu.memory_space<hbm>>
      %dma_start3A_991 = tpu.memref_slice %arg8[%dma_start3A_984] : memref<8x!tpu.dma_semaphore, #tpu.memory_space<semaphore_mem>> -> memref<1x!tpu.dma_semaphore, #tpu.memory_space<semaphore_mem>>
      %dma_start3A_992 = tpu.memref_squeeze %dma_start3A_991 : memref<1x!tpu.dma_semaphore, #tpu.memory_space<semaphore_mem>> -> memref<!tpu.dma_semaphore, #tpu.memory_space<semaphore_mem>>
      %dma_start3A_993 = arith.constant 0 : i32
      %dma_start3A_994 = tpu.memref_slice %arg4[%add3A_982, %dma_start3A_993] : memref<819200x128xf32, #tpu.memory_space<hbm>> -> memref<200x64xf32, #tpu.memory_space<hbm>>
      %dma_start3A_995 = arith.constant 0 : i32
      %dma_start3A_996 = arith.constant 0 : i32
      %dma_start3A_997 = tpu.memref_slice %arg6[%dma_start3A_983, %dma_start3A_995, %dma_start3A_996] : memref<8x200x64xf32, #tpu.memory_space<vmem>> -> memref<1x200x64xf32, #tpu.memory_space<vmem>>
      %dma_start3A_998 = tpu.memref_squeeze %dma_start3A_997 : memref<1x200x64xf32, #tpu.memory_space<vmem>> -> memref<200x64xf32, #tpu.memory_space<vmem>>
      tpu.enqueue_dma source(%dma_start3A_998 : memref<200x64xf32, #tpu.memory_space<vmem>>) target(%dma_start3A_994 : memref<200x64xf32, #tpu.memory_space<hbm>>) target_semaphore(%dma_start3A_992 : memref<!tpu.dma_semaphore, #tpu.memory_space<semaphore_mem>>)
      %dma_wait3A_999 = arith.constant 7 : i32
      %dma_wait3A_1000 = arith.constant 7 : i32
      %dma_wait3A_1001 = arith.constant 0 : i32
      %dma_wait3A_1002 = arith.constant 0 : i32
      %dma_wait3A_1003 = tpu.memref_slice %arg6[%dma_wait3A_999, %dma_wait3A_1001, %dma_wait3A_1002] : memref<8x200x64xf32, #tpu.memory_space<vmem>> -> memref<1x200x64xf32, #tpu.memory_space<vmem>>
      %dma_wait3A_1004 = tpu.memref_squeeze %dma_wait3A_1003 : memref<1x200x64xf32, #tpu.memory_space<vmem>> -> memref<200x64xf32, #tpu.memory_space<vmem>>
      %dma_wait3A_1005 = arith.constant 0 : i32
      %dma_wait3A_1006 = tpu.memref_slice %arg4[%mul3A_2, %dma_wait3A_1005] : memref<819200x128xf32, #tpu.memory_space<hbm>> -> memref<200x64xf32, #tpu.memory_space<hbm>>
      %dma_wait3A_1007 = tpu.memref_slice %arg8[%dma_wait3A_1000] : memref<8x!tpu.dma_semaphore, #tpu.memory_space<semaphore_mem>> -> memref<1x!tpu.dma_semaphore, #tpu.memory_space<semaphore_mem>>
      %dma_wait3A_1008 = tpu.memref_squeeze %dma_wait3A_1007 : memref<1x!tpu.dma_semaphore, #tpu.memory_space<semaphore_mem>> -> memref<!tpu.dma_semaphore, #tpu.memory_space<semaphore_mem>>
      %dma_wait3A_1009 = arith.constant 0 : i32
      %dma_wait3A_1010 = tpu.memref_slice %arg4[%mul3A_2, %dma_wait3A_1009] : memref<819200x128xf32, #tpu.memory_space<hbm>> -> memref<200x64xf32, #tpu.memory_space<hbm>>
      %dma_wait3A_1011 = arith.constant 0 : i32
      %dma_wait3A_1012 = arith.constant 0 : i32
      %dma_wait3A_1013 = tpu.memref_slice %arg6[%dma_wait3A_999, %dma_wait3A_1011, %dma_wait3A_1012] : memref<8x200x64xf32, #tpu.memory_space<vmem>> -> memref<1x200x64xf32, #tpu.memory_space<vmem>>
      %dma_wait3A_1014 = tpu.memref_squeeze %dma_wait3A_1013 : memref<1x200x64xf32, #tpu.memory_space<vmem>> -> memref<200x64xf32, #tpu.memory_space<vmem>>
      tpu.wait_dma2 semaphore(%dma_wait3A_1008 : memref<!tpu.dma_semaphore, #tpu.memory_space<semaphore_mem>>) src(%dma_wait3A_1014 : memref<200x64xf32, #tpu.memory_space<vmem>>) dst(%dma_wait3A_1010 : memref<200x64xf32, #tpu.memory_space<hbm>>)
      %add3A_1015 = arith.constant 8 : i32
      %add3A_1016 = arith.addi %add3A_966, %add3A_1015 : i32
      %mul3A_1017 = arith.constant 200 : i32
      %mul3A_1018 = arith.muli %add3A_1016, %mul3A_1017 : i32
      %dma_start3A_1019 = arith.constant 7 : i32
      %dma_start3A_1020 = arith.constant 7 : i32
      %dma_start3A_1021 = arith.constant 0 : i32
      %dma_start3A_1022 = arith.constant 0 : i32
      %dma_start3A_1023 = tpu.memref_slice %arg6[%dma_start3A_1019, %dma_start3A_1021, %dma_start3A_1022] : memref<8x200x64xf32, #tpu.memory_space<vmem>> -> memref<1x200x64xf32, #tpu.memory_space<vmem>>
      %dma_start3A_1024 = tpu.memref_squeeze %dma_start3A_1023 : memref<1x200x64xf32, #tpu.memory_space<vmem>> -> memref<200x64xf32, #tpu.memory_space<vmem>>
      %dma_start3A_1025 = tpu.memref_slice %arg5[%mul3A_1018] : memref<25600xi32, #tpu.memory_space<vmem>> -> memref<200xi32, #tpu.memory_space<vmem>>
      %dma_start3A_1026 = arith.constant 0 : i32
      %dma_start3A_1027 = arith.constant 0 : i32
      %dma_start3A_1028 = tpu.memref_slice %arg2[%dma_start3A_1026, %dma_start3A_1027] : memref<1000000x64xf32, #tpu.memory_space<hbm>> -> memref<1000000x64xf32, #tpu.memory_space<hbm>>
      %dma_start3A_1029 = tpu.memref_slice %arg7[%dma_start3A_1020] : memref<8x!tpu.dma_semaphore, #tpu.memory_space<semaphore_mem>> -> memref<1x!tpu.dma_semaphore, #tpu.memory_space<semaphore_mem>>
      %dma_start3A_1030 = tpu.memref_squeeze %dma_start3A_1029 : memref<1x!tpu.dma_semaphore, #tpu.memory_space<semaphore_mem>> -> memref<!tpu.dma_semaphore, #tpu.memory_space<semaphore_mem>>
      tpu.enqueue_indirect_dma source(%dma_start3A_1028 : memref<1000000x64xf32, #tpu.memory_space<hbm>>) target(%dma_start3A_1024 : memref<200x64xf32, #tpu.memory_space<vmem>>) offsets(%dma_start3A_1025 : memref<200xi32, #tpu.memory_space<vmem>>) semaphore(%dma_start3A_1030 : memref<!tpu.dma_semaphore, #tpu.memory_space<semaphore_mem>>)
    }
    %scan3A_110 = arith.constant 15 : i32
    %dma_wait3A = arith.constant 0 : i32
    %dma_wait3A_111 = arith.constant 0 : i32
    %dma_wait3A_112 = arith.constant 0 : i32
    %dma_wait3A_113 = arith.constant 0 : i32
    %dma_wait3A_114 = tpu.memref_slice %arg6[%dma_wait3A, %dma_wait3A_112, %dma_wait3A_113] : memref<8x200x64xf32, #tpu.memory_space<vmem>> -> memref<1x200x64xf32, #tpu.memory_space<vmem>>
    %dma_wait3A_115 = tpu.memref_squeeze %dma_wait3A_114 : memref<1x200x64xf32, #tpu.memory_space<vmem>> -> memref<200x64xf32, #tpu.memory_space<vmem>>
    %dma_wait3A_116 = arith.constant 0 : i32
    %dma_wait3A_117 = tpu.memref_slice %arg5[%dma_wait3A_116] : memref<25600xi32, #tpu.memory_space<vmem>> -> memref<200xi32, #tpu.memory_space<vmem>>
    %dma_wait3A_118 = arith.constant 0 : i32
    %dma_wait3A_119 = arith.constant 0 : i32
    %dma_wait3A_120 = tpu.memref_slice %arg2[%dma_wait3A_118, %dma_wait3A_119] : memref<1000000x64xf32, #tpu.memory_space<hbm>> -> memref<1000000x64xf32, #tpu.memory_space<hbm>>
    %dma_wait3A_121 = tpu.memref_slice %arg7[%dma_wait3A_111] : memref<8x!tpu.dma_semaphore, #tpu.memory_space<semaphore_mem>> -> memref<1x!tpu.dma_semaphore, #tpu.memory_space<semaphore_mem>>
    %dma_wait3A_122 = tpu.memref_squeeze %dma_wait3A_121 : memref<1x!tpu.dma_semaphore, #tpu.memory_space<semaphore_mem>> -> memref<!tpu.dma_semaphore, #tpu.memory_space<semaphore_mem>>
    tpu.wait_indirect_dma semaphore(%dma_wait3A_122 : memref<!tpu.dma_semaphore, #tpu.memory_space<semaphore_mem>>) src(%dma_wait3A_120 : memref<1000000x64xf32, #tpu.memory_space<hbm>>) dst(%dma_wait3A_115 : memref<200x64xf32, #tpu.memory_space<vmem>>)
    %add3A_123 = arith.constant 24000 : i32
    %add3A_124 = arith.addi %mul3A_2, %add3A_123 : i32
    %dma_start3A_125 = arith.constant 0 : i32
    %dma_start3A_126 = arith.constant 0 : i32
    %dma_start3A_127 = arith.constant 0 : i32
    %dma_start3A_128 = arith.constant 0 : i32
    %dma_start3A_129 = tpu.memref_slice %arg6[%dma_start3A_125, %dma_start3A_127, %dma_start3A_128] : memref<8x200x64xf32, #tpu.memory_space<vmem>> -> memref<1x200x64xf32, #tpu.memory_space<vmem>>
    %dma_start3A_130 = tpu.memref_squeeze %dma_start3A_129 : memref<1x200x64xf32, #tpu.memory_space<vmem>> -> memref<200x64xf32, #tpu.memory_space<vmem>>
    %dma_start3A_131 = arith.constant 0 : i32
    %dma_start3A_132 = tpu.memref_slice %arg4[%add3A_124, %dma_start3A_131] : memref<819200x128xf32, #tpu.memory_space<hbm>> -> memref<200x64xf32, #tpu.memory_space<hbm>>
    %dma_start3A_133 = tpu.memref_slice %arg8[%dma_start3A_126] : memref<8x!tpu.dma_semaphore, #tpu.memory_space<semaphore_mem>> -> memref<1x!tpu.dma_semaphore, #tpu.memory_space<semaphore_mem>>
    %dma_start3A_134 = tpu.memref_squeeze %dma_start3A_133 : memref<1x!tpu.dma_semaphore, #tpu.memory_space<semaphore_mem>> -> memref<!tpu.dma_semaphore, #tpu.memory_space<semaphore_mem>>
    %dma_start3A_135 = arith.constant 0 : i32
    %dma_start3A_136 = tpu.memref_slice %arg4[%add3A_124, %dma_start3A_135] : memref<819200x128xf32, #tpu.memory_space<hbm>> -> memref<200x64xf32, #tpu.memory_space<hbm>>
    %dma_start3A_137 = arith.constant 0 : i32
    %dma_start3A_138 = arith.constant 0 : i32
    %dma_start3A_139 = tpu.memref_slice %arg6[%dma_start3A_125, %dma_start3A_137, %dma_start3A_138] : memref<8x200x64xf32, #tpu.memory_space<vmem>> -> memref<1x200x64xf32, #tpu.memory_space<vmem>>
    %dma_start3A_140 = tpu.memref_squeeze %dma_start3A_139 : memref<1x200x64xf32, #tpu.memory_space<vmem>> -> memref<200x64xf32, #tpu.memory_space<vmem>>
    tpu.enqueue_dma source(%dma_start3A_140 : memref<200x64xf32, #tpu.memory_space<vmem>>) target(%dma_start3A_136 : memref<200x64xf32, #tpu.memory_space<hbm>>) target_semaphore(%dma_start3A_134 : memref<!tpu.dma_semaphore, #tpu.memory_space<semaphore_mem>>)
    %dma_wait3A_141 = arith.constant 0 : i32
    %dma_wait3A_142 = arith.constant 0 : i32
    %dma_wait3A_143 = arith.constant 0 : i32
    %dma_wait3A_144 = arith.constant 0 : i32
    %dma_wait3A_145 = tpu.memref_slice %arg6[%dma_wait3A_141, %dma_wait3A_143, %dma_wait3A_144] : memref<8x200x64xf32, #tpu.memory_space<vmem>> -> memref<1x200x64xf32, #tpu.memory_space<vmem>>
    %dma_wait3A_146 = tpu.memref_squeeze %dma_wait3A_145 : memref<1x200x64xf32, #tpu.memory_space<vmem>> -> memref<200x64xf32, #tpu.memory_space<vmem>>
    %dma_wait3A_147 = arith.constant 0 : i32
    %dma_wait3A_148 = tpu.memref_slice %arg4[%mul3A_2, %dma_wait3A_147] : memref<819200x128xf32, #tpu.memory_space<hbm>> -> memref<200x64xf32, #tpu.memory_space<hbm>>
    %dma_wait3A_149 = tpu.memref_slice %arg8[%dma_wait3A_142] : memref<8x!tpu.dma_semaphore, #tpu.memory_space<semaphore_mem>> -> memref<1x!tpu.dma_semaphore, #tpu.memory_space<semaphore_mem>>
    %dma_wait3A_150 = tpu.memref_squeeze %dma_wait3A_149 : memref<1x!tpu.dma_semaphore, #tpu.memory_space<semaphore_mem>> -> memref<!tpu.dma_semaphore, #tpu.memory_space<semaphore_mem>>
    %dma_wait3A_151 = arith.constant 0 : i32
    %dma_wait3A_152 = tpu.memref_slice %arg4[%mul3A_2, %dma_wait3A_151] : memref<819200x128xf32, #tpu.memory_space<hbm>> -> memref<200x64xf32, #tpu.memory_space<hbm>>
    %dma_wait3A_153 = arith.constant 0 : i32
    %dma_wait3A_154 = arith.constant 0 : i32
    %dma_wait3A_155 = tpu.memref_slice %arg6[%dma_wait3A_141, %dma_wait3A_153, %dma_wait3A_154] : memref<8x200x64xf32, #tpu.memory_space<vmem>> -> memref<1x200x64xf32, #tpu.memory_space<vmem>>
    %dma_wait3A_156 = tpu.memref_squeeze %dma_wait3A_155 : memref<1x200x64xf32, #tpu.memory_space<vmem>> -> memref<200x64xf32, #tpu.memory_space<vmem>>
    tpu.wait_dma2 semaphore(%dma_wait3A_150 : memref<!tpu.dma_semaphore, #tpu.memory_space<semaphore_mem>>) src(%dma_wait3A_156 : memref<200x64xf32, #tpu.memory_space<vmem>>) dst(%dma_wait3A_152 : memref<200x64xf32, #tpu.memory_space<hbm>>)
    %dma_wait3A_157 = arith.constant 1 : i32
    %dma_wait3A_158 = arith.constant 1 : i32
    %dma_wait3A_159 = arith.constant 0 : i32
    %dma_wait3A_160 = arith.constant 0 : i32
    %dma_wait3A_161 = tpu.memref_slice %arg6[%dma_wait3A_157, %dma_wait3A_159, %dma_wait3A_160] : memref<8x200x64xf32, #tpu.memory_space<vmem>> -> memref<1x200x64xf32, #tpu.memory_space<vmem>>
    %dma_wait3A_162 = tpu.memref_squeeze %dma_wait3A_161 : memref<1x200x64xf32, #tpu.memory_space<vmem>> -> memref<200x64xf32, #tpu.memory_space<vmem>>
    %dma_wait3A_163 = arith.constant 0 : i32
    %dma_wait3A_164 = tpu.memref_slice %arg5[%dma_wait3A_163] : memref<25600xi32, #tpu.memory_space<vmem>> -> memref<200xi32, #tpu.memory_space<vmem>>
    %dma_wait3A_165 = arith.constant 0 : i32
    %dma_wait3A_166 = arith.constant 0 : i32
    %dma_wait3A_167 = tpu.memref_slice %arg2[%dma_wait3A_165, %dma_wait3A_166] : memref<1000000x64xf32, #tpu.memory_space<hbm>> -> memref<1000000x64xf32, #tpu.memory_space<hbm>>
    %dma_wait3A_168 = tpu.memref_slice %arg7[%dma_wait3A_158] : memref<8x!tpu.dma_semaphore, #tpu.memory_space<semaphore_mem>> -> memref<1x!tpu.dma_semaphore, #tpu.memory_space<semaphore_mem>>
    %dma_wait3A_169 = tpu.memref_squeeze %dma_wait3A_168 : memref<1x!tpu.dma_semaphore, #tpu.memory_space<semaphore_mem>> -> memref<!tpu.dma_semaphore, #tpu.memory_space<semaphore_mem>>
    tpu.wait_indirect_dma semaphore(%dma_wait3A_169 : memref<!tpu.dma_semaphore, #tpu.memory_space<semaphore_mem>>) src(%dma_wait3A_167 : memref<1000000x64xf32, #tpu.memory_space<hbm>>) dst(%dma_wait3A_162 : memref<200x64xf32, #tpu.memory_space<vmem>>)
    %add3A_170 = arith.constant 24200 : i32
    %add3A_171 = arith.addi %mul3A_2, %add3A_170 : i32
    %dma_start3A_172 = arith.constant 1 : i32
    %dma_start3A_173 = arith.constant 1 : i32
    %dma_start3A_174 = arith.constant 0 : i32
    %dma_start3A_175 = arith.constant 0 : i32
    %dma_start3A_176 = tpu.memref_slice %arg6[%dma_start3A_172, %dma_start3A_174, %dma_start3A_175] : memref<8x200x64xf32, #tpu.memory_space<vmem>> -> memref<1x200x64xf32, #tpu.memory_space<vmem>>
    %dma_start3A_177 = tpu.memref_squeeze %dma_start3A_176 : memref<1x200x64xf32, #tpu.memory_space<vmem>> -> memref<200x64xf32, #tpu.memory_space<vmem>>
    %dma_start3A_178 = arith.constant 0 : i32
    %dma_start3A_179 = tpu.memref_slice %arg4[%add3A_171, %dma_start3A_178] : memref<819200x128xf32, #tpu.memory_space<hbm>> -> memref<200x64xf32, #tpu.memory_space<hbm>>
    %dma_start3A_180 = tpu.memref_slice %arg8[%dma_start3A_173] : memref<8x!tpu.dma_semaphore, #tpu.memory_space<semaphore_mem>> -> memref<1x!tpu.dma_semaphore, #tpu.memory_space<semaphore_mem>>
    %dma_start3A_181 = tpu.memref_squeeze %dma_start3A_180 : memref<1x!tpu.dma_semaphore, #tpu.memory_space<semaphore_mem>> -> memref<!tpu.dma_semaphore, #tpu.memory_space<semaphore_mem>>
    %dma_start3A_182 = arith.constant 0 : i32
    %dma_start3A_183 = tpu.memref_slice %arg4[%add3A_171, %dma_start3A_182] : memref<819200x128xf32, #tpu.memory_space<hbm>> -> memref<200x64xf32, #tpu.memory_space<hbm>>
    %dma_start3A_184 = arith.constant 0 : i32
    %dma_start3A_185 = arith.constant 0 : i32
    %dma_start3A_186 = tpu.memref_slice %arg6[%dma_start3A_172, %dma_start3A_184, %dma_start3A_185] : memref<8x200x64xf32, #tpu.memory_space<vmem>> -> memref<1x200x64xf32, #tpu.memory_space<vmem>>
    %dma_start3A_187 = tpu.memref_squeeze %dma_start3A_186 : memref<1x200x64xf32, #tpu.memory_space<vmem>> -> memref<200x64xf32, #tpu.memory_space<vmem>>
    tpu.enqueue_dma source(%dma_start3A_187 : memref<200x64xf32, #tpu.memory_space<vmem>>) target(%dma_start3A_183 : memref<200x64xf32, #tpu.memory_space<hbm>>) target_semaphore(%dma_start3A_181 : memref<!tpu.dma_semaphore, #tpu.memory_space<semaphore_mem>>)
    %dma_wait3A_188 = arith.constant 1 : i32
    %dma_wait3A_189 = arith.constant 1 : i32
    %dma_wait3A_190 = arith.constant 0 : i32
    %dma_wait3A_191 = arith.constant 0 : i32
    %dma_wait3A_192 = tpu.memref_slice %arg6[%dma_wait3A_188, %dma_wait3A_190, %dma_wait3A_191] : memref<8x200x64xf32, #tpu.memory_space<vmem>> -> memref<1x200x64xf32, #tpu.memory_space<vmem>>
    %dma_wait3A_193 = tpu.memref_squeeze %dma_wait3A_192 : memref<1x200x64xf32, #tpu.memory_space<vmem>> -> memref<200x64xf32, #tpu.memory_space<vmem>>
    %dma_wait3A_194 = arith.constant 0 : i32
    %dma_wait3A_195 = tpu.memref_slice %arg4[%mul3A_2, %dma_wait3A_194] : memref<819200x128xf32, #tpu.memory_space<hbm>> -> memref<200x64xf32, #tpu.memory_space<hbm>>
    %dma_wait3A_196 = tpu.memref_slice %arg8[%dma_wait3A_189] : memref<8x!tpu.dma_semaphore, #tpu.memory_space<semaphore_mem>> -> memref<1x!tpu.dma_semaphore, #tpu.memory_space<semaphore_mem>>
    %dma_wait3A_197 = tpu.memref_squeeze %dma_wait3A_196 : memref<1x!tpu.dma_semaphore, #tpu.memory_space<semaphore_mem>> -> memref<!tpu.dma_semaphore, #tpu.memory_space<semaphore_mem>>
    %dma_wait3A_198 = arith.constant 0 : i32
    %dma_wait3A_199 = tpu.memref_slice %arg4[%mul3A_2, %dma_wait3A_198] : memref<819200x128xf32, #tpu.memory_space<hbm>> -> memref<200x64xf32, #tpu.memory_space<hbm>>
    %dma_wait3A_200 = arith.constant 0 : i32
    %dma_wait3A_201 = arith.constant 0 : i32
    %dma_wait3A_202 = tpu.memref_slice %arg6[%dma_wait3A_188, %dma_wait3A_200, %dma_wait3A_201] : memref<8x200x64xf32, #tpu.memory_space<vmem>> -> memref<1x200x64xf32, #tpu.memory_space<vmem>>
    %dma_wait3A_203 = tpu.memref_squeeze %dma_wait3A_202 : memref<1x200x64xf32, #tpu.memory_space<vmem>> -> memref<200x64xf32, #tpu.memory_space<vmem>>
    tpu.wait_dma2 semaphore(%dma_wait3A_197 : memref<!tpu.dma_semaphore, #tpu.memory_space<semaphore_mem>>) src(%dma_wait3A_203 : memref<200x64xf32, #tpu.memory_space<vmem>>) dst(%dma_wait3A_199 : memref<200x64xf32, #tpu.memory_space<hbm>>)
    %dma_wait3A_204 = arith.constant 2 : i32
    %dma_wait3A_205 = arith.constant 2 : i32
    %dma_wait3A_206 = arith.constant 0 : i32
    %dma_wait3A_207 = arith.constant 0 : i32
    %dma_wait3A_208 = tpu.memref_slice %arg6[%dma_wait3A_204, %dma_wait3A_206, %dma_wait3A_207] : memref<8x200x64xf32, #tpu.memory_space<vmem>> -> memref<1x200x64xf32, #tpu.memory_space<vmem>>
    %dma_wait3A_209 = tpu.memref_squeeze %dma_wait3A_208 : memref<1x200x64xf32, #tpu.memory_space<vmem>> -> memref<200x64xf32, #tpu.memory_space<vmem>>
    %dma_wait3A_210 = arith.constant 0 : i32
    %dma_wait3A_211 = tpu.memref_slice %arg5[%dma_wait3A_210] : memref<25600xi32, #tpu.memory_space<vmem>> -> memref<200xi32, #tpu.memory_space<vmem>>
    %dma_wait3A_212 = arith.constant 0 : i32
    %dma_wait3A_213 = arith.constant 0 : i32
    %dma_wait3A_214 = tpu.memref_slice %arg2[%dma_wait3A_212, %dma_wait3A_213] : memref<1000000x64xf32, #tpu.memory_space<hbm>> -> memref<1000000x64xf32, #tpu.memory_space<hbm>>
    %dma_wait3A_215 = tpu.memref_slice %arg7[%dma_wait3A_205] : memref<8x!tpu.dma_semaphore, #tpu.memory_space<semaphore_mem>> -> memref<1x!tpu.dma_semaphore, #tpu.memory_space<semaphore_mem>>
    %dma_wait3A_216 = tpu.memref_squeeze %dma_wait3A_215 : memref<1x!tpu.dma_semaphore, #tpu.memory_space<semaphore_mem>> -> memref<!tpu.dma_semaphore, #tpu.memory_space<semaphore_mem>>
    tpu.wait_indirect_dma semaphore(%dma_wait3A_216 : memref<!tpu.dma_semaphore, #tpu.memory_space<semaphore_mem>>) src(%dma_wait3A_214 : memref<1000000x64xf32, #tpu.memory_space<hbm>>) dst(%dma_wait3A_209 : memref<200x64xf32, #tpu.memory_space<vmem>>)
    %add3A_217 = arith.constant 24400 : i32
    %add3A_218 = arith.addi %mul3A_2, %add3A_217 : i32
    %dma_start3A_219 = arith.constant 2 : i32
    %dma_start3A_220 = arith.constant 2 : i32
    %dma_start3A_221 = arith.constant 0 : i32
    %dma_start3A_222 = arith.constant 0 : i32
    %dma_start3A_223 = tpu.memref_slice %arg6[%dma_start3A_219, %dma_start3A_221, %dma_start3A_222] : memref<8x200x64xf32, #tpu.memory_space<vmem>> -> memref<1x200x64xf32, #tpu.memory_space<vmem>>
    %dma_start3A_224 = tpu.memref_squeeze %dma_start3A_223 : memref<1x200x64xf32, #tpu.memory_space<vmem>> -> memref<200x64xf32, #tpu.memory_space<vmem>>
    %dma_start3A_225 = arith.constant 0 : i32
    %dma_start3A_226 = tpu.memref_slice %arg4[%add3A_218, %dma_start3A_225] : memref<819200x128xf32, #tpu.memory_space<hbm>> -> memref<200x64xf32, #tpu.memory_space<hbm>>
    %dma_start3A_227 = tpu.memref_slice %arg8[%dma_start3A_220] : memref<8x!tpu.dma_semaphore, #tpu.memory_space<semaphore_mem>> -> memref<1x!tpu.dma_semaphore, #tpu.memory_space<semaphore_mem>>
    %dma_start3A_228 = tpu.memref_squeeze %dma_start3A_227 : memref<1x!tpu.dma_semaphore, #tpu.memory_space<semaphore_mem>> -> memref<!tpu.dma_semaphore, #tpu.memory_space<semaphore_mem>>
    %dma_start3A_229 = arith.constant 0 : i32
    %dma_start3A_230 = tpu.memref_slice %arg4[%add3A_218, %dma_start3A_229] : memref<819200x128xf32, #tpu.memory_space<hbm>> -> memref<200x64xf32, #tpu.memory_space<hbm>>
    %dma_start3A_231 = arith.constant 0 : i32
    %dma_start3A_232 = arith.constant 0 : i32
    %dma_start3A_233 = tpu.memref_slice %arg6[%dma_start3A_219, %dma_start3A_231, %dma_start3A_232] : memref<8x200x64xf32, #tpu.memory_space<vmem>> -> memref<1x200x64xf32, #tpu.memory_space<vmem>>
    %dma_start3A_234 = tpu.memref_squeeze %dma_start3A_233 : memref<1x200x64xf32, #tpu.memory_space<vmem>> -> memref<200x64xf32, #tpu.memory_space<vmem>>
    tpu.enqueue_dma source(%dma_start3A_234 : memref<200x64xf32, #tpu.memory_space<vmem>>) target(%dma_start3A_230 : memref<200x64xf32, #tpu.memory_space<hbm>>) target_semaphore(%dma_start3A_228 : memref<!tpu.dma_semaphore, #tpu.memory_space<semaphore_mem>>)
    %dma_wait3A_235 = arith.constant 2 : i32
    %dma_wait3A_236 = arith.constant 2 : i32
    %dma_wait3A_237 = arith.constant 0 : i32
    %dma_wait3A_238 = arith.constant 0 : i32
    %dma_wait3A_239 = tpu.memref_slice %arg6[%dma_wait3A_235, %dma_wait3A_237, %dma_wait3A_238] : memref<8x200x64xf32, #tpu.memory_space<vmem>> -> memref<1x200x64xf32, #tpu.memory_space<vmem>>
    %dma_wait3A_240 = tpu.memref_squeeze %dma_wait3A_239 : memref<1x200x64xf32, #tpu.memory_space<vmem>> -> memref<200x64xf32, #tpu.memory_space<vmem>>
    %dma_wait3A_241 = arith.constant 0 : i32
    %dma_wait3A_242 = tpu.memref_slice %arg4[%mul3A_2, %dma_wait3A_241] : memref<819200x128xf32, #tpu.memory_space<hbm>> -> memref<200x64xf32, #tpu.memory_space<hbm>>
    %dma_wait3A_243 = tpu.memref_slice %arg8[%dma_wait3A_236] : memref<8x!tpu.dma_semaphore, #tpu.memory_space<semaphore_mem>> -> memref<1x!tpu.dma_semaphore, #tpu.memory_space<semaphore_mem>>
    %dma_wait3A_244 = tpu.memref_squeeze %dma_wait3A_243 : memref<1x!tpu.dma_semaphore, #tpu.memory_space<semaphore_mem>> -> memref<!tpu.dma_semaphore, #tpu.memory_space<semaphore_mem>>
    %dma_wait3A_245 = arith.constant 0 : i32
    %dma_wait3A_246 = tpu.memref_slice %arg4[%mul3A_2, %dma_wait3A_245] : memref<819200x128xf32, #tpu.memory_space<hbm>> -> memref<200x64xf32, #tpu.memory_space<hbm>>
    %dma_wait3A_247 = arith.constant 0 : i32
    %dma_wait3A_248 = arith.constant 0 : i32
    %dma_wait3A_249 = tpu.memref_slice %arg6[%dma_wait3A_235, %dma_wait3A_247, %dma_wait3A_248] : memref<8x200x64xf32, #tpu.memory_space<vmem>> -> memref<1x200x64xf32, #tpu.memory_space<vmem>>
    %dma_wait3A_250 = tpu.memref_squeeze %dma_wait3A_249 : memref<1x200x64xf32, #tpu.memory_space<vmem>> -> memref<200x64xf32, #tpu.memory_space<vmem>>
    tpu.wait_dma2 semaphore(%dma_wait3A_244 : memref<!tpu.dma_semaphore, #tpu.memory_space<semaphore_mem>>) src(%dma_wait3A_250 : memref<200x64xf32, #tpu.memory_space<vmem>>) dst(%dma_wait3A_246 : memref<200x64xf32, #tpu.memory_space<hbm>>)
    %dma_wait3A_251 = arith.constant 3 : i32
    %dma_wait3A_252 = arith.constant 3 : i32
    %dma_wait3A_253 = arith.constant 0 : i32
    %dma_wait3A_254 = arith.constant 0 : i32
    %dma_wait3A_255 = tpu.memref_slice %arg6[%dma_wait3A_251, %dma_wait3A_253, %dma_wait3A_254] : memref<8x200x64xf32, #tpu.memory_space<vmem>> -> memref<1x200x64xf32, #tpu.memory_space<vmem>>
    %dma_wait3A_256 = tpu.memref_squeeze %dma_wait3A_255 : memref<1x200x64xf32, #tpu.memory_space<vmem>> -> memref<200x64xf32, #tpu.memory_space<vmem>>
    %dma_wait3A_257 = arith.constant 0 : i32
    %dma_wait3A_258 = tpu.memref_slice %arg5[%dma_wait3A_257] : memref<25600xi32, #tpu.memory_space<vmem>> -> memref<200xi32, #tpu.memory_space<vmem>>
    %dma_wait3A_259 = arith.constant 0 : i32
    %dma_wait3A_260 = arith.constant 0 : i32
    %dma_wait3A_261 = tpu.memref_slice %arg2[%dma_wait3A_259, %dma_wait3A_260] : memref<1000000x64xf32, #tpu.memory_space<hbm>> -> memref<1000000x64xf32, #tpu.memory_space<hbm>>
    %dma_wait3A_262 = tpu.memref_slice %arg7[%dma_wait3A_252] : memref<8x!tpu.dma_semaphore, #tpu.memory_space<semaphore_mem>> -> memref<1x!tpu.dma_semaphore, #tpu.memory_space<semaphore_mem>>
    %dma_wait3A_263 = tpu.memref_squeeze %dma_wait3A_262 : memref<1x!tpu.dma_semaphore, #tpu.memory_space<semaphore_mem>> -> memref<!tpu.dma_semaphore, #tpu.memory_space<semaphore_mem>>
    tpu.wait_indirect_dma semaphore(%dma_wait3A_263 : memref<!tpu.dma_semaphore, #tpu.memory_space<semaphore_mem>>) src(%dma_wait3A_261 : memref<1000000x64xf32, #tpu.memory_space<hbm>>) dst(%dma_wait3A_256 : memref<200x64xf32, #tpu.memory_space<vmem>>)
    %add3A_264 = arith.constant 24600 : i32
    %add3A_265 = arith.addi %mul3A_2, %add3A_264 : i32
    %dma_start3A_266 = arith.constant 3 : i32
    %dma_start3A_267 = arith.constant 3 : i32
    %dma_start3A_268 = arith.constant 0 : i32
    %dma_start3A_269 = arith.constant 0 : i32
    %dma_start3A_270 = tpu.memref_slice %arg6[%dma_start3A_266, %dma_start3A_268, %dma_start3A_269] : memref<8x200x64xf32, #tpu.memory_space<vmem>> -> memref<1x200x64xf32, #tpu.memory_space<vmem>>
    %dma_start3A_271 = tpu.memref_squeeze %dma_start3A_270 : memref<1x200x64xf32, #tpu.memory_space<vmem>> -> memref<200x64xf32, #tpu.memory_space<vmem>>
    %dma_start3A_272 = arith.constant 0 : i32
    %dma_start3A_273 = tpu.memref_slice %arg4[%add3A_265, %dma_start3A_272] : memref<819200x128xf32, #tpu.memory_space<hbm>> -> memref<200x64xf32, #tpu.memory_space<hbm>>
    %dma_start3A_274 = tpu.memref_slice %arg8[%dma_start3A_267] : memref<8x!tpu.dma_semaphore, #tpu.memory_space<semaphore_mem>> -> memref<1x!tpu.dma_semaphore, #tpu.memory_space<semaphore_mem>>
    %dma_start3A_275 = tpu.memref_squeeze %dma_start3A_274 : memref<1x!tpu.dma_semaphore, #tpu.memory_space<semaphore_mem>> -> memref<!tpu.dma_semaphore, #tpu.memory_space<semaphore_mem>>
    %dma_start3A_276 = arith.constant 0 : i32
    %dma_start3A_277 = tpu.memref_slice %arg4[%add3A_265, %dma_start3A_276] : memref<819200x128xf32, #tpu.memory_space<hbm>> -> memref<200x64xf32, #tpu.memory_space<hbm>>
    %dma_start3A_278 = arith.constant 0 : i32
    %dma_start3A_279 = arith.constant 0 : i32
    %dma_start3A_280 = tpu.memref_slice %arg6[%dma_start3A_266, %dma_start3A_278, %dma_start3A_279] : memref<8x200x64xf32, #tpu.memory_space<vmem>> -> memref<1x200x64xf32, #tpu.memory_space<vmem>>
    %dma_start3A_281 = tpu.memref_squeeze %dma_start3A_280 : memref<1x200x64xf32, #tpu.memory_space<vmem>> -> memref<200x64xf32, #tpu.memory_space<vmem>>
    tpu.enqueue_dma source(%dma_start3A_281 : memref<200x64xf32, #tpu.memory_space<vmem>>) target(%dma_start3A_277 : memref<200x64xf32, #tpu.memory_space<hbm>>) target_semaphore(%dma_start3A_275 : memref<!tpu.dma_semaphore, #tpu.memory_space<semaphore_mem>>)
    %dma_wait3A_282 = arith.constant 3 : i32
    %dma_wait3A_283 = arith.constant 3 : i32
    %dma_wait3A_284 = arith.constant 0 : i32
    %dma_wait3A_285 = arith.constant 0 : i32
    %dma_wait3A_286 = tpu.memref_slice %arg6[%dma_wait3A_282, %dma_wait3A_284, %dma_wait3A_285] : memref<8x200x64xf32, #tpu.memory_space<vmem>> -> memref<1x200x64xf32, #tpu.memory_space<vmem>>
    %dma_wait3A_287 = tpu.memref_squeeze %dma_wait3A_286 : memref<1x200x64xf32, #tpu.memory_space<vmem>> -> memref<200x64xf32, #tpu.memory_space<vmem>>
    %dma_wait3A_288 = arith.constant 0 : i32
    %dma_wait3A_289 = tpu.memref_slice %arg4[%mul3A_2, %dma_wait3A_288] : memref<819200x128xf32, #tpu.memory_space<hbm>> -> memref<200x64xf32, #tpu.memory_space<hbm>>
    %dma_wait3A_290 = tpu.memref_slice %arg8[%dma_wait3A_283] : memref<8x!tpu.dma_semaphore, #tpu.memory_space<semaphore_mem>> -> memref<1x!tpu.dma_semaphore, #tpu.memory_space<semaphore_mem>>
    %dma_wait3A_291 = tpu.memref_squeeze %dma_wait3A_290 : memref<1x!tpu.dma_semaphore, #tpu.memory_space<semaphore_mem>> -> memref<!tpu.dma_semaphore, #tpu.memory_space<semaphore_mem>>
    %dma_wait3A_292 = arith.constant 0 : i32
    %dma_wait3A_293 = tpu.memref_slice %arg4[%mul3A_2, %dma_wait3A_292] : memref<819200x128xf32, #tpu.memory_space<hbm>> -> memref<200x64xf32, #tpu.memory_space<hbm>>
    %dma_wait3A_294 = arith.constant 0 : i32
    %dma_wait3A_295 = arith.constant 0 : i32
    %dma_wait3A_296 = tpu.memref_slice %arg6[%dma_wait3A_282, %dma_wait3A_294, %dma_wait3A_295] : memref<8x200x64xf32, #tpu.memory_space<vmem>> -> memref<1x200x64xf32, #tpu.memory_space<vmem>>
    %dma_wait3A_297 = tpu.memref_squeeze %dma_wait3A_296 : memref<1x200x64xf32, #tpu.memory_space<vmem>> -> memref<200x64xf32, #tpu.memory_space<vmem>>
    tpu.wait_dma2 semaphore(%dma_wait3A_291 : memref<!tpu.dma_semaphore, #tpu.memory_space<semaphore_mem>>) src(%dma_wait3A_297 : memref<200x64xf32, #tpu.memory_space<vmem>>) dst(%dma_wait3A_293 : memref<200x64xf32, #tpu.memory_space<hbm>>)
    %dma_wait3A_298 = arith.constant 4 : i32
    %dma_wait3A_299 = arith.constant 4 : i32
    %dma_wait3A_300 = arith.constant 0 : i32
    %dma_wait3A_301 = arith.constant 0 : i32
    %dma_wait3A_302 = tpu.memref_slice %arg6[%dma_wait3A_298, %dma_wait3A_300, %dma_wait3A_301] : memref<8x200x64xf32, #tpu.memory_space<vmem>> -> memref<1x200x64xf32, #tpu.memory_space<vmem>>
    %dma_wait3A_303 = tpu.memref_squeeze %dma_wait3A_302 : memref<1x200x64xf32, #tpu.memory_space<vmem>> -> memref<200x64xf32, #tpu.memory_space<vmem>>
    %dma_wait3A_304 = arith.constant 0 : i32
    %dma_wait3A_305 = tpu.memref_slice %arg5[%dma_wait3A_304] : memref<25600xi32, #tpu.memory_space<vmem>> -> memref<200xi32, #tpu.memory_space<vmem>>
    %dma_wait3A_306 = arith.constant 0 : i32
    %dma_wait3A_307 = arith.constant 0 : i32
    %dma_wait3A_308 = tpu.memref_slice %arg2[%dma_wait3A_306, %dma_wait3A_307] : memref<1000000x64xf32, #tpu.memory_space<hbm>> -> memref<1000000x64xf32, #tpu.memory_space<hbm>>
    %dma_wait3A_309 = tpu.memref_slice %arg7[%dma_wait3A_299] : memref<8x!tpu.dma_semaphore, #tpu.memory_space<semaphore_mem>> -> memref<1x!tpu.dma_semaphore, #tpu.memory_space<semaphore_mem>>
    %dma_wait3A_310 = tpu.memref_squeeze %dma_wait3A_309 : memref<1x!tpu.dma_semaphore, #tpu.memory_space<semaphore_mem>> -> memref<!tpu.dma_semaphore, #tpu.memory_space<semaphore_mem>>
    tpu.wait_indirect_dma semaphore(%dma_wait3A_310 : memref<!tpu.dma_semaphore, #tpu.memory_space<semaphore_mem>>) src(%dma_wait3A_308 : memref<1000000x64xf32, #tpu.memory_space<hbm>>) dst(%dma_wait3A_303 : memref<200x64xf32, #tpu.memory_space<vmem>>)
    %add3A_311 = arith.constant 24800 : i32
    %add3A_312 = arith.addi %mul3A_2, %add3A_311 : i32
    %dma_start3A_313 = arith.constant 4 : i32
    %dma_start3A_314 = arith.constant 4 : i32
    %dma_start3A_315 = arith.constant 0 : i32
    %dma_start3A_316 = arith.constant 0 : i32
    %dma_start3A_317 = tpu.memref_slice %arg6[%dma_start3A_313, %dma_start3A_315, %dma_start3A_316] : memref<8x200x64xf32, #tpu.memory_space<vmem>> -> memref<1x200x64xf32, #tpu.memory_space<vmem>>
    %dma_start3A_318 = tpu.memref_squeeze %dma_start3A_317 : memref<1x200x64xf32, #tpu.memory_space<vmem>> -> memref<200x64xf32, #tpu.memory_space<vmem>>
    %dma_start3A_319 = arith.constant 0 : i32
    %dma_start3A_320 = tpu.memref_slice %arg4[%add3A_312, %dma_start3A_319] : memref<819200x128xf32, #tpu.memory_space<hbm>> -> memref<200x64xf32, #tpu.memory_space<hbm>>
    %dma_start3A_321 = tpu.memref_slice %arg8[%dma_start3A_314] : memref<8x!tpu.dma_semaphore, #tpu.memory_space<semaphore_mem>> -> memref<1x!tpu.dma_semaphore, #tpu.memory_space<semaphore_mem>>
    %dma_start3A_322 = tpu.memref_squeeze %dma_start3A_321 : memref<1x!tpu.dma_semaphore, #tpu.memory_space<semaphore_mem>> -> memref<!tpu.dma_semaphore, #tpu.memory_space<semaphore_mem>>
    %dma_start3A_323 = arith.constant 0 : i32
    %dma_start3A_324 = tpu.memref_slice %arg4[%add3A_312, %dma_start3A_323] : memref<819200x128xf32, #tpu.memory_space<hbm>> -> memref<200x64xf32, #tpu.memory_space<hbm>>
    %dma_start3A_325 = arith.constant 0 : i32
    %dma_start3A_326 = arith.constant 0 : i32
    %dma_start3A_327 = tpu.memref_slice %arg6[%dma_start3A_313, %dma_start3A_325, %dma_start3A_326] : memref<8x200x64xf32, #tpu.memory_space<vmem>> -> memref<1x200x64xf32, #tpu.memory_space<vmem>>
    %dma_start3A_328 = tpu.memref_squeeze %dma_start3A_327 : memref<1x200x64xf32, #tpu.memory_space<vmem>> -> memref<200x64xf32, #tpu.memory_space<vmem>>
    tpu.enqueue_dma source(%dma_start3A_328 : memref<200x64xf32, #tpu.memory_space<vmem>>) target(%dma_start3A_324 : memref<200x64xf32, #tpu.memory_space<hbm>>) target_semaphore(%dma_start3A_322 : memref<!tpu.dma_semaphore, #tpu.memory_space<semaphore_mem>>)
    %dma_wait3A_329 = arith.constant 4 : i32
    %dma_wait3A_330 = arith.constant 4 : i32
    %dma_wait3A_331 = arith.constant 0 : i32
    %dma_wait3A_332 = arith.constant 0 : i32
    %dma_wait3A_333 = tpu.memref_slice %arg6[%dma_wait3A_329, %dma_wait3A_331, %dma_wait3A_332] : memref<8x200x64xf32, #tpu.memory_space<vmem>> -> memref<1x200x64xf32, #tpu.memory_space<vmem>>
    %dma_wait3A_334 = tpu.memref_squeeze %dma_wait3A_333 : memref<1x200x64xf32, #tpu.memory_space<vmem>> -> memref<200x64xf32, #tpu.memory_space<vmem>>
    %dma_wait3A_335 = arith.constant 0 : i32
    %dma_wait3A_336 = tpu.memref_slice %arg4[%mul3A_2, %dma_wait3A_335] : memref<819200x128xf32, #tpu.memory_space<hbm>> -> memref<200x64xf32, #tpu.memory_space<hbm>>
    %dma_wait3A_337 = tpu.memref_slice %arg8[%dma_wait3A_330] : memref<8x!tpu.dma_semaphore, #tpu.memory_space<semaphore_mem>> -> memref<1x!tpu.dma_semaphore, #tpu.memory_space<semaphore_mem>>
    %dma_wait3A_338 = tpu.memref_squeeze %dma_wait3A_337 : memref<1x!tpu.dma_semaphore, #tpu.memory_space<semaphore_mem>> -> memref<!tpu.dma_semaphore, #tpu.memory_space<semaphore_mem>>
    %dma_wait3A_339 = arith.constant 0 : i32
    %dma_wait3A_340 = tpu.memref_slice %arg4[%mul3A_2, %dma_wait3A_339] : memref<819200x128xf32, #tpu.memory_space<hbm>> -> memref<200x64xf32, #tpu.memory_space<hbm>>
    %dma_wait3A_341 = arith.constant 0 : i32
    %dma_wait3A_342 = arith.constant 0 : i32
    %dma_wait3A_343 = tpu.memref_slice %arg6[%dma_wait3A_329, %dma_wait3A_341, %dma_wait3A_342] : memref<8x200x64xf32, #tpu.memory_space<vmem>> -> memref<1x200x64xf32, #tpu.memory_space<vmem>>
    %dma_wait3A_344 = tpu.memref_squeeze %dma_wait3A_343 : memref<1x200x64xf32, #tpu.memory_space<vmem>> -> memref<200x64xf32, #tpu.memory_space<vmem>>
    tpu.wait_dma2 semaphore(%dma_wait3A_338 : memref<!tpu.dma_semaphore, #tpu.memory_space<semaphore_mem>>) src(%dma_wait3A_344 : memref<200x64xf32, #tpu.memory_space<vmem>>) dst(%dma_wait3A_340 : memref<200x64xf32, #tpu.memory_space<hbm>>)
    %dma_wait3A_345 = arith.constant 5 : i32
    %dma_wait3A_346 = arith.constant 5 : i32
    %dma_wait3A_347 = arith.constant 0 : i32
    %dma_wait3A_348 = arith.constant 0 : i32
    %dma_wait3A_349 = tpu.memref_slice %arg6[%dma_wait3A_345, %dma_wait3A_347, %dma_wait3A_348] : memref<8x200x64xf32, #tpu.memory_space<vmem>> -> memref<1x200x64xf32, #tpu.memory_space<vmem>>
    %dma_wait3A_350 = tpu.memref_squeeze %dma_wait3A_349 : memref<1x200x64xf32, #tpu.memory_space<vmem>> -> memref<200x64xf32, #tpu.memory_space<vmem>>
    %dma_wait3A_351 = arith.constant 0 : i32
    %dma_wait3A_352 = tpu.memref_slice %arg5[%dma_wait3A_351] : memref<25600xi32, #tpu.memory_space<vmem>> -> memref<200xi32, #tpu.memory_space<vmem>>
    %dma_wait3A_353 = arith.constant 0 : i32
    %dma_wait3A_354 = arith.constant 0 : i32
    %dma_wait3A_355 = tpu.memref_slice %arg2[%dma_wait3A_353, %dma_wait3A_354] : memref<1000000x64xf32, #tpu.memory_space<hbm>> -> memref<1000000x64xf32, #tpu.memory_space<hbm>>
    %dma_wait3A_356 = tpu.memref_slice %arg7[%dma_wait3A_346] : memref<8x!tpu.dma_semaphore, #tpu.memory_space<semaphore_mem>> -> memref<1x!tpu.dma_semaphore, #tpu.memory_space<semaphore_mem>>
    %dma_wait3A_357 = tpu.memref_squeeze %dma_wait3A_356 : memref<1x!tpu.dma_semaphore, #tpu.memory_space<semaphore_mem>> -> memref<!tpu.dma_semaphore, #tpu.memory_space<semaphore_mem>>
    tpu.wait_indirect_dma semaphore(%dma_wait3A_357 : memref<!tpu.dma_semaphore, #tpu.memory_space<semaphore_mem>>) src(%dma_wait3A_355 : memref<1000000x64xf32, #tpu.memory_space<hbm>>) dst(%dma_wait3A_350 : memref<200x64xf32, #tpu.memory_space<vmem>>)
    %add3A_358 = arith.constant 25000 : i32
    %add3A_359 = arith.addi %mul3A_2, %add3A_358 : i32
    %dma_start3A_360 = arith.constant 5 : i32
    %dma_start3A_361 = arith.constant 5 : i32
    %dma_start3A_362 = arith.constant 0 : i32
    %dma_start3A_363 = arith.constant 0 : i32
    %dma_start3A_364 = tpu.memref_slice %arg6[%dma_start3A_360, %dma_start3A_362, %dma_start3A_363] : memref<8x200x64xf32, #tpu.memory_space<vmem>> -> memref<1x200x64xf32, #tpu.memory_space<vmem>>
    %dma_start3A_365 = tpu.memref_squeeze %dma_start3A_364 : memref<1x200x64xf32, #tpu.memory_space<vmem>> -> memref<200x64xf32, #tpu.memory_space<vmem>>
    %dma_start3A_366 = arith.constant 0 : i32
    %dma_start3A_367 = tpu.memref_slice %arg4[%add3A_359, %dma_start3A_366] : memref<819200x128xf32, #tpu.memory_space<hbm>> -> memref<200x64xf32, #tpu.memory_space<hbm>>
    %dma_start3A_368 = tpu.memref_slice %arg8[%dma_start3A_361] : memref<8x!tpu.dma_semaphore, #tpu.memory_space<semaphore_mem>> -> memref<1x!tpu.dma_semaphore, #tpu.memory_space<semaphore_mem>>
    %dma_start3A_369 = tpu.memref_squeeze %dma_start3A_368 : memref<1x!tpu.dma_semaphore, #tpu.memory_space<semaphore_mem>> -> memref<!tpu.dma_semaphore, #tpu.memory_space<semaphore_mem>>
    %dma_start3A_370 = arith.constant 0 : i32
    %dma_start3A_371 = tpu.memref_slice %arg4[%add3A_359, %dma_start3A_370] : memref<819200x128xf32, #tpu.memory_space<hbm>> -> memref<200x64xf32, #tpu.memory_space<hbm>>
    %dma_start3A_372 = arith.constant 0 : i32
    %dma_start3A_373 = arith.constant 0 : i32
    %dma_start3A_374 = tpu.memref_slice %arg6[%dma_start3A_360, %dma_start3A_372, %dma_start3A_373] : memref<8x200x64xf32, #tpu.memory_space<vmem>> -> memref<1x200x64xf32, #tpu.memory_space<vmem>>
    %dma_start3A_375 = tpu.memref_squeeze %dma_start3A_374 : memref<1x200x64xf32, #tpu.memory_space<vmem>> -> memref<200x64xf32, #tpu.memory_space<vmem>>
    tpu.enqueue_dma source(%dma_start3A_375 : memref<200x64xf32, #tpu.memory_space<vmem>>) target(%dma_start3A_371 : memref<200x64xf32, #tpu.memory_space<hbm>>) target_semaphore(%dma_start3A_369 : memref<!tpu.dma_semaphore, #tpu.memory_space<semaphore_mem>>)
    %dma_wait3A_376 = arith.constant 5 : i32
    %dma_wait3A_377 = arith.constant 5 : i32
    %dma_wait3A_378 = arith.constant 0 : i32
    %dma_wait3A_379 = arith.constant 0 : i32
    %dma_wait3A_380 = tpu.memref_slice %arg6[%dma_wait3A_376, %dma_wait3A_378, %dma_wait3A_379] : memref<8x200x64xf32, #tpu.memory_space<vmem>> -> memref<1x200x64xf32, #tpu.memory_space<vmem>>
    %dma_wait3A_381 = tpu.memref_squeeze %dma_wait3A_380 : memref<1x200x64xf32, #tpu.memory_space<vmem>> -> memref<200x64xf32, #tpu.memory_space<vmem>>
    %dma_wait3A_382 = arith.constant 0 : i32
    %dma_wait3A_383 = tpu.memref_slice %arg4[%mul3A_2, %dma_wait3A_382] : memref<819200x128xf32, #tpu.memory_space<hbm>> -> memref<200x64xf32, #tpu.memory_space<hbm>>
    %dma_wait3A_384 = tpu.memref_slice %arg8[%dma_wait3A_377] : memref<8x!tpu.dma_semaphore, #tpu.memory_space<semaphore_mem>> -> memref<1x!tpu.dma_semaphore, #tpu.memory_space<semaphore_mem>>
    %dma_wait3A_385 = tpu.memref_squeeze %dma_wait3A_384 : memref<1x!tpu.dma_semaphore, #tpu.memory_space<semaphore_mem>> -> memref<!tpu.dma_semaphore, #tpu.memory_space<semaphore_mem>>
    %dma_wait3A_386 = arith.constant 0 : i32
    %dma_wait3A_387 = tpu.memref_slice %arg4[%mul3A_2, %dma_wait3A_386] : memref<819200x128xf32, #tpu.memory_space<hbm>> -> memref<200x64xf32, #tpu.memory_space<hbm>>
    %dma_wait3A_388 = arith.constant 0 : i32
    %dma_wait3A_389 = arith.constant 0 : i32
    %dma_wait3A_390 = tpu.memref_slice %arg6[%dma_wait3A_376, %dma_wait3A_388, %dma_wait3A_389] : memref<8x200x64xf32, #tpu.memory_space<vmem>> -> memref<1x200x64xf32, #tpu.memory_space<vmem>>
    %dma_wait3A_391 = tpu.memref_squeeze %dma_wait3A_390 : memref<1x200x64xf32, #tpu.memory_space<vmem>> -> memref<200x64xf32, #tpu.memory_space<vmem>>
    tpu.wait_dma2 semaphore(%dma_wait3A_385 : memref<!tpu.dma_semaphore, #tpu.memory_space<semaphore_mem>>) src(%dma_wait3A_391 : memref<200x64xf32, #tpu.memory_space<vmem>>) dst(%dma_wait3A_387 : memref<200x64xf32, #tpu.memory_space<hbm>>)
    %dma_wait3A_392 = arith.constant 6 : i32
    %dma_wait3A_393 = arith.constant 6 : i32
    %dma_wait3A_394 = arith.constant 0 : i32
    %dma_wait3A_395 = arith.constant 0 : i32
    %dma_wait3A_396 = tpu.memref_slice %arg6[%dma_wait3A_392, %dma_wait3A_394, %dma_wait3A_395] : memref<8x200x64xf32, #tpu.memory_space<vmem>> -> memref<1x200x64xf32, #tpu.memory_space<vmem>>
    %dma_wait3A_397 = tpu.memref_squeeze %dma_wait3A_396 : memref<1x200x64xf32, #tpu.memory_space<vmem>> -> memref<200x64xf32, #tpu.memory_space<vmem>>
    %dma_wait3A_398 = arith.constant 0 : i32
    %dma_wait3A_399 = tpu.memref_slice %arg5[%dma_wait3A_398] : memref<25600xi32, #tpu.memory_space<vmem>> -> memref<200xi32, #tpu.memory_space<vmem>>
    %dma_wait3A_400 = arith.constant 0 : i32
    %dma_wait3A_401 = arith.constant 0 : i32
    %dma_wait3A_402 = tpu.memref_slice %arg2[%dma_wait3A_400, %dma_wait3A_401] : memref<1000000x64xf32, #tpu.memory_space<hbm>> -> memref<1000000x64xf32, #tpu.memory_space<hbm>>
    %dma_wait3A_403 = tpu.memref_slice %arg7[%dma_wait3A_393] : memref<8x!tpu.dma_semaphore, #tpu.memory_space<semaphore_mem>> -> memref<1x!tpu.dma_semaphore, #tpu.memory_space<semaphore_mem>>
    %dma_wait3A_404 = tpu.memref_squeeze %dma_wait3A_403 : memref<1x!tpu.dma_semaphore, #tpu.memory_space<semaphore_mem>> -> memref<!tpu.dma_semaphore, #tpu.memory_space<semaphore_mem>>
    tpu.wait_indirect_dma semaphore(%dma_wait3A_404 : memref<!tpu.dma_semaphore, #tpu.memory_space<semaphore_mem>>) src(%dma_wait3A_402 : memref<1000000x64xf32, #tpu.memory_space<hbm>>) dst(%dma_wait3A_397 : memref<200x64xf32, #tpu.memory_space<vmem>>)
    %add3A_405 = arith.constant 25200 : i32
    %add3A_406 = arith.addi %mul3A_2, %add3A_405 : i32
    %dma_start3A_407 = arith.constant 6 : i32
    %dma_start3A_408 = arith.constant 6 : i32
    %dma_start3A_409 = arith.constant 0 : i32
    %dma_start3A_410 = arith.constant 0 : i32
    %dma_start3A_411 = tpu.memref_slice %arg6[%dma_start3A_407, %dma_start3A_409, %dma_start3A_410] : memref<8x200x64xf32, #tpu.memory_space<vmem>> -> memref<1x200x64xf32, #tpu.memory_space<vmem>>
    %dma_start3A_412 = tpu.memref_squeeze %dma_start3A_411 : memref<1x200x64xf32, #tpu.memory_space<vmem>> -> memref<200x64xf32, #tpu.memory_space<vmem>>
    %dma_start3A_413 = arith.constant 0 : i32
    %dma_start3A_414 = tpu.memref_slice %arg4[%add3A_406, %dma_start3A_413] : memref<819200x128xf32, #tpu.memory_space<hbm>> -> memref<200x64xf32, #tpu.memory_space<hbm>>
    %dma_start3A_415 = tpu.memref_slice %arg8[%dma_start3A_408] : memref<8x!tpu.dma_semaphore, #tpu.memory_space<semaphore_mem>> -> memref<1x!tpu.dma_semaphore, #tpu.memory_space<semaphore_mem>>
    %dma_start3A_416 = tpu.memref_squeeze %dma_start3A_415 : memref<1x!tpu.dma_semaphore, #tpu.memory_space<semaphore_mem>> -> memref<!tpu.dma_semaphore, #tpu.memory_space<semaphore_mem>>
    %dma_start3A_417 = arith.constant 0 : i32
    %dma_start3A_418 = tpu.memref_slice %arg4[%add3A_406, %dma_start3A_417] : memref<819200x128xf32, #tpu.memory_space<hbm>> -> memref<200x64xf32, #tpu.memory_space<hbm>>
    %dma_start3A_419 = arith.constant 0 : i32
    %dma_start3A_420 = arith.constant 0 : i32
    %dma_start3A_421 = tpu.memref_slice %arg6[%dma_start3A_407, %dma_start3A_419, %dma_start3A_420] : memref<8x200x64xf32, #tpu.memory_space<vmem>> -> memref<1x200x64xf32, #tpu.memory_space<vmem>>
    %dma_start3A_422 = tpu.memref_squeeze %dma_start3A_421 : memref<1x200x64xf32, #tpu.memory_space<vmem>> -> memref<200x64xf32, #tpu.memory_space<vmem>>
    tpu.enqueue_dma source(%dma_start3A_422 : memref<200x64xf32, #tpu.memory_space<vmem>>) target(%dma_start3A_418 : memref<200x64xf32, #tpu.memory_space<hbm>>) target_semaphore(%dma_start3A_416 : memref<!tpu.dma_semaphore, #tpu.memory_space<semaphore_mem>>)
    %dma_wait3A_423 = arith.constant 6 : i32
    %dma_wait3A_424 = arith.constant 6 : i32
    %dma_wait3A_425 = arith.constant 0 : i32
    %dma_wait3A_426 = arith.constant 0 : i32
    %dma_wait3A_427 = tpu.memref_slice %arg6[%dma_wait3A_423, %dma_wait3A_425, %dma_wait3A_426] : memref<8x200x64xf32, #tpu.memory_space<vmem>> -> memref<1x200x64xf32, #tpu.memory_space<vmem>>
    %dma_wait3A_428 = tpu.memref_squeeze %dma_wait3A_427 : memref<1x200x64xf32, #tpu.memory_space<vmem>> -> memref<200x64xf32, #tpu.memory_space<vmem>>
    %dma_wait3A_429 = arith.constant 0 : i32
    %dma_wait3A_430 = tpu.memref_slice %arg4[%mul3A_2, %dma_wait3A_429] : memref<819200x128xf32, #tpu.memory_space<hbm>> -> memref<200x64xf32, #tpu.memory_space<hbm>>
    %dma_wait3A_431 = tpu.memref_slice %arg8[%dma_wait3A_424] : memref<8x!tpu.dma_semaphore, #tpu.memory_space<semaphore_mem>> -> memref<1x!tpu.dma_semaphore, #tpu.memory_space<semaphore_mem>>
    %dma_wait3A_432 = tpu.memref_squeeze %dma_wait3A_431 : memref<1x!tpu.dma_semaphore, #tpu.memory_space<semaphore_mem>> -> memref<!tpu.dma_semaphore, #tpu.memory_space<semaphore_mem>>
    %dma_wait3A_433 = arith.constant 0 : i32
    %dma_wait3A_434 = tpu.memref_slice %arg4[%mul3A_2, %dma_wait3A_433] : memref<819200x128xf32, #tpu.memory_space<hbm>> -> memref<200x64xf32, #tpu.memory_space<hbm>>
    %dma_wait3A_435 = arith.constant 0 : i32
    %dma_wait3A_436 = arith.constant 0 : i32
    %dma_wait3A_437 = tpu.memref_slice %arg6[%dma_wait3A_423, %dma_wait3A_435, %dma_wait3A_436] : memref<8x200x64xf32, #tpu.memory_space<vmem>> -> memref<1x200x64xf32, #tpu.memory_space<vmem>>
    %dma_wait3A_438 = tpu.memref_squeeze %dma_wait3A_437 : memref<1x200x64xf32, #tpu.memory_space<vmem>> -> memref<200x64xf32, #tpu.memory_space<vmem>>
    tpu.wait_dma2 semaphore(%dma_wait3A_432 : memref<!tpu.dma_semaphore, #tpu.memory_space<semaphore_mem>>) src(%dma_wait3A_438 : memref<200x64xf32, #tpu.memory_space<vmem>>) dst(%dma_wait3A_434 : memref<200x64xf32, #tpu.memory_space<hbm>>)
    %dma_wait3A_439 = arith.constant 7 : i32
    %dma_wait3A_440 = arith.constant 7 : i32
    %dma_wait3A_441 = arith.constant 0 : i32
    %dma_wait3A_442 = arith.constant 0 : i32
    %dma_wait3A_443 = tpu.memref_slice %arg6[%dma_wait3A_439, %dma_wait3A_441, %dma_wait3A_442] : memref<8x200x64xf32, #tpu.memory_space<vmem>> -> memref<1x200x64xf32, #tpu.memory_space<vmem>>
    %dma_wait3A_444 = tpu.memref_squeeze %dma_wait3A_443 : memref<1x200x64xf32, #tpu.memory_space<vmem>> -> memref<200x64xf32, #tpu.memory_space<vmem>>
    %dma_wait3A_445 = arith.constant 0 : i32
    %dma_wait3A_446 = tpu.memref_slice %arg5[%dma_wait3A_445] : memref<25600xi32, #tpu.memory_space<vmem>> -> memref<200xi32, #tpu.memory_space<vmem>>
    %dma_wait3A_447 = arith.constant 0 : i32
    %dma_wait3A_448 = arith.constant 0 : i32
    %dma_wait3A_449 = tpu.memref_slice %arg2[%dma_wait3A_447, %dma_wait3A_448] : memref<1000000x64xf32, #tpu.memory_space<hbm>> -> memref<1000000x64xf32, #tpu.memory_space<hbm>>
    %dma_wait3A_450 = tpu.memref_slice %arg7[%dma_wait3A_440] : memref<8x!tpu.dma_semaphore, #tpu.memory_space<semaphore_mem>> -> memref<1x!tpu.dma_semaphore, #tpu.memory_space<semaphore_mem>>
    %dma_wait3A_451 = tpu.memref_squeeze %dma_wait3A_450 : memref<1x!tpu.dma_semaphore, #tpu.memory_space<semaphore_mem>> -> memref<!tpu.dma_semaphore, #tpu.memory_space<semaphore_mem>>
    tpu.wait_indirect_dma semaphore(%dma_wait3A_451 : memref<!tpu.dma_semaphore, #tpu.memory_space<semaphore_mem>>) src(%dma_wait3A_449 : memref<1000000x64xf32, #tpu.memory_space<hbm>>) dst(%dma_wait3A_444 : memref<200x64xf32, #tpu.memory_space<vmem>>)
    %add3A_452 = arith.constant 25400 : i32
    %add3A_453 = arith.addi %mul3A_2, %add3A_452 : i32
    %dma_start3A_454 = arith.constant 7 : i32
    %dma_start3A_455 = arith.constant 7 : i32
    %dma_start3A_456 = arith.constant 0 : i32
    %dma_start3A_457 = arith.constant 0 : i32
    %dma_start3A_458 = tpu.memref_slice %arg6[%dma_start3A_454, %dma_start3A_456, %dma_start3A_457] : memref<8x200x64xf32, #tpu.memory_space<vmem>> -> memref<1x200x64xf32, #tpu.memory_space<vmem>>
    %dma_start3A_459 = tpu.memref_squeeze %dma_start3A_458 : memref<1x200x64xf32, #tpu.memory_space<vmem>> -> memref<200x64xf32, #tpu.memory_space<vmem>>
    %dma_start3A_460 = arith.constant 0 : i32
    %dma_start3A_461 = tpu.memref_slice %arg4[%add3A_453, %dma_start3A_460] : memref<819200x128xf32, #tpu.memory_space<hbm>> -> memref<200x64xf32, #tpu.memory_space<hbm>>
    %dma_start3A_462 = tpu.memref_slice %arg8[%dma_start3A_455] : memref<8x!tpu.dma_semaphore, #tpu.memory_space<semaphore_mem>> -> memref<1x!tpu.dma_semaphore, #tpu.memory_space<semaphore_mem>>
    %dma_start3A_463 = tpu.memref_squeeze %dma_start3A_462 : memref<1x!tpu.dma_semaphore, #tpu.memory_space<semaphore_mem>> -> memref<!tpu.dma_semaphore, #tpu.memory_space<semaphore_mem>>
    %dma_start3A_464 = arith.constant 0 : i32
    %dma_start3A_465 = tpu.memref_slice %arg4[%add3A_453, %dma_start3A_464] : memref<819200x128xf32, #tpu.memory_space<hbm>> -> memref<200x64xf32, #tpu.memory_space<hbm>>
    %dma_start3A_466 = arith.constant 0 : i32
    %dma_start3A_467 = arith.constant 0 : i32
    %dma_start3A_468 = tpu.memref_slice %arg6[%dma_start3A_454, %dma_start3A_466, %dma_start3A_467] : memref<8x200x64xf32, #tpu.memory_space<vmem>> -> memref<1x200x64xf32, #tpu.memory_space<vmem>>
    %dma_start3A_469 = tpu.memref_squeeze %dma_start3A_468 : memref<1x200x64xf32, #tpu.memory_space<vmem>> -> memref<200x64xf32, #tpu.memory_space<vmem>>
    tpu.enqueue_dma source(%dma_start3A_469 : memref<200x64xf32, #tpu.memory_space<vmem>>) target(%dma_start3A_465 : memref<200x64xf32, #tpu.memory_space<hbm>>) target_semaphore(%dma_start3A_463 : memref<!tpu.dma_semaphore, #tpu.memory_space<semaphore_mem>>)
    %dma_wait3A_470 = arith.constant 7 : i32
    %dma_wait3A_471 = arith.constant 7 : i32
    %dma_wait3A_472 = arith.constant 0 : i32
    %dma_wait3A_473 = arith.constant 0 : i32
    %dma_wait3A_474 = tpu.memref_slice %arg6[%dma_wait3A_470, %dma_wait3A_472, %dma_wait3A_473] : memref<8x200x64xf32, #tpu.memory_space<vmem>> -> memref<1x200x64xf32, #tpu.memory_space<vmem>>
    %dma_wait3A_475 = tpu.memref_squeeze %dma_wait3A_474 : memref<1x200x64xf32, #tpu.memory_space<vmem>> -> memref<200x64xf32, #tpu.memory_space<vmem>>
    %dma_wait3A_476 = arith.constant 0 : i32
    %dma_wait3A_477 = tpu.memref_slice %arg4[%mul3A_2, %dma_wait3A_476] : memref<819200x128xf32, #tpu.memory_space<hbm>> -> memref<200x64xf32, #tpu.memory_space<hbm>>
    %dma_wait3A_478 = tpu.memref_slice %arg8[%dma_wait3A_471] : memref<8x!tpu.dma_semaphore, #tpu.memory_space<semaphore_mem>> -> memref<1x!tpu.dma_semaphore, #tpu.memory_space<semaphore_mem>>
    %dma_wait3A_479 = tpu.memref_squeeze %dma_wait3A_478 : memref<1x!tpu.dma_semaphore, #tpu.memory_space<semaphore_mem>> -> memref<!tpu.dma_semaphore, #tpu.memory_space<semaphore_mem>>
    %dma_wait3A_480 = arith.constant 0 : i32
    %dma_wait3A_481 = tpu.memref_slice %arg4[%mul3A_2, %dma_wait3A_480] : memref<819200x128xf32, #tpu.memory_space<hbm>> -> memref<200x64xf32, #tpu.memory_space<hbm>>
    %dma_wait3A_482 = arith.constant 0 : i32
    %dma_wait3A_483 = arith.constant 0 : i32
    %dma_wait3A_484 = tpu.memref_slice %arg6[%dma_wait3A_470, %dma_wait3A_482, %dma_wait3A_483] : memref<8x200x64xf32, #tpu.memory_space<vmem>> -> memref<1x200x64xf32, #tpu.memory_space<vmem>>
    %dma_wait3A_485 = tpu.memref_squeeze %dma_wait3A_484 : memref<1x200x64xf32, #tpu.memory_space<vmem>> -> memref<200x64xf32, #tpu.memory_space<vmem>>
    tpu.wait_dma2 semaphore(%dma_wait3A_479 : memref<!tpu.dma_semaphore, #tpu.memory_space<semaphore_mem>>) src(%dma_wait3A_485 : memref<200x64xf32, #tpu.memory_space<vmem>>) dst(%dma_wait3A_481 : memref<200x64xf32, #tpu.memory_space<hbm>>)
    return
  }
}

</mosaic_0001>

<sc_bundles>
// kernel: kernel.3.cloned.1.call-start
scs
__scs_entry_jumppad:
0x0: {  	(pc) =	sbr.rel $0x88, $3  }
0x1: {  	(tag) =	ssettag $0x0;
	lr =	simm.s32 $0x1  }
0x2: {  	[smem:$0x3F9F] =	sst lr;
	_ =	strace $0xD0000000  }
0x3: {  	_ = 	snop  }
0x4: {  	_ = 	snop  }
0x5: {  	_ = 	snop  }
0x6: {  	_ = 	snop  }
0x7: {  	_ = 	snop  }
__scs_overlays_trampoline_lowered:
0x8: {  	[smem:$0x3FAE] =	sst s0  }
0x9: {  	[smem:$0x3FAF] =	sst s1  }
0xa: {  	[smem:$0x3FB0] =	sst s2  }
0xb: {  	[smem:$0x3FB1] =	sst s3  }
0xc: {  	[smem:$0x3FB2] =	sst s4  }
0xd: {  	[smem:$0x3FB3] =	sst s5  }
0xe: {  	[smem:$0x3FB4] =	sst s6  }
0xf: {  	[smem:$0x3FB5] =	sst s7  }
0x10: {  	[smem:$0x3FB6] =	sst s8  }
0x11: {  	[smem:$0x3FB7] =	sst s9;
	s0 =	simm.s32 @!p0 $0x0  }
0x12: {  	s1 =	sld [smem:$0x3F9D];
	s0 =	simm.s32 @p0 $0x1  }
0x13: {  	[smem:$0x3FB8] =	sst s0;
	s0 =	simm.s32 @!p1 $0x0  }
0x14: {  	s2 =	sld [smem:$0x3F9C];
	s0 =	simm.s32 @p1 $0x1  }
0x15: {  	[smem:$0x3FB9] =	sst s0;
	s0 =	simm.s32 @!p2 $0x0  }
0x16: {  	s3 =	sld [smem:$0x3FDB];
	s0 =	simm.s32 @p2 $0x1  }
0x17: {  	s4 =	simm.s32 $0x1BF5;
	[smem:$0x3FBB] =	sst s0  }
0x18: {  	s0 =	sld [smem:$0x3F9E];
	_ =	swait.ge [sflag:s4], $0x0  }
0x19: {  	s7 =	sld [smem:$0x3F9F]  }
0x1a: {  	s8 =	sadd.s32 $0xFFFFE003, lr  }
0x1b: {  	s9 =	sadd.s32 $0xFFFFFEF7, lr;
	s5 =	simm.s32 $0xFFFFFFFF;
	p2 =	slt.u32 s8, $0xFFFFF086  }
0x1c: {  	p1 =	slt.u32 s9, $0xF7A;
	s5 =	simm.s32 @!p2 $0x0  }
0x1d: {  	s5 =	simm.s32 @p1 $0x1;
	p0 =	seq.s32 s7, s2  }
0x1e: {  	s7 =	smul.u32 @!p0 $0xF7A, s2;
	p2 =	seq.s32 @!p0 s5, $0x0  }
0x1f: {  	s9 =	smul.u32 $0xF7A, s1;
	s8 =	simm.s32 @!p0 $0x1BF5;
	p2 =	por !p2, p0  }
0x20: {  	[sflag:s8] =	ssyncset.s32 @!p0 $0xFFFFF086;
	s6 =	sadd.s32 @!p0 s3, s7;
	s7 =	simm.s32 @!p0 $0x108  }
0x21: {  	s3 =	sadd.s32 s3, s9;
	s6 =	sadd.s32 @!p0 $0x88, s6;
	s7 =	simm.s32 @p2 $0x1082  }
0x22: {  	[simem:s7], [sflag:s8] =	dma.local @!p0 [hbm:s6], $0xF7A  }
0x23: {  	s9 =	sor.u32 $0xD0000000, s2;
	s6 =	simm.s32 $0x108;
	_ =	swait.ge @!p0 [sflag:s8], $0x0  }
0x24: {  	s3 =	sadd.s32 $0x88, s3;
	s6 =	simm.s32 @!p1 $0x1082;
	[sflag:s4] =	ssyncset.s32 $0xFFFFF086  }
0x25: {  	[simem:s6], [sflag:s4] =	dma.local [hbm:s3], $0xF7A  }
0x26: {  	[smem:$0x3F9F] =	sst s1;
	(tag) =	ssettag s2;
	_ =	strace s9  }
0x27: {  	s1 =	sld [smem:$0x3FAF]  }
0x28: {  	s2 =	sld [smem:$0x3FB0]  }
0x29: {  	s4 =	sld [smem:$0x3FB2]  }
0x2a: {  	p0 =	seq.s32 s5, $0x0;
	s5 =	sld [smem:$0x3FB3]  }
0x2b: {  	s6 =	sld [smem:$0x3FB4]  }
0x2c: {  	s7 =	sld [smem:$0x3FB5]  }
0x2d: {  	s3 =	simm.s32 $0x108;
	s8 =	sld [smem:$0x3FB6]  }
0x2e: {  	s3 =	simm.s32 @!p0 $0x1082;
	s9 =	sld [smem:$0x3FB7]  }
0x2f: {  	lr =	sadd.s32 s0, s3;
	s0 =	sld [smem:$0x3FAE]  }
0x30: {  	s3 =	sld [smem:$0x3FB1]  }
0x31: {  	[smem:$0x3FBA] =	sst s10  }
0x32: {  	s10 =	sld [smem:$0x3FB8];
	_ =	sdelay $0x3  }
0x33: {  	p0 =	seq.s32 s10, $0x1;
	s10 =	sld [smem:$0x3FBA];
	_ =	sdelay $0x3  }
0x34: {  	[smem:$0x3FBA] =	sst s10  }
0x35: {  	s10 =	sld [smem:$0x3FB9];
	_ =	sdelay $0x3  }
0x36: {  	p1 =	seq.s32 s10, $0x1;
	s10 =	sld [smem:$0x3FBA];
	_ =	sdelay $0x3  }
0x37: {  	[smem:$0x3FBA] =	sst s10  }
0x38: {  	s10 =	sld [smem:$0x3FBB]  }
0x39: {  	_ = 	snop;
	(pc) =	sbr.ind lr, $3  }
0x3a: {  	_ = 	snop  }
0x3b: {  	_ = 	snop  }
0x3c: {  	p2 =	seq.s32 s10, $0x1;
	s10 =	sld [smem:$0x3FBA]  }
0x3d: {  	_ =	shalt  }
0x3e: {  	_ =	shalt  }
0x3f: {  	_ =	shalt  }
0x40: {  	_ =	shalt  }
0x41: {  	_ =	shalt  }
0x42: {  	_ =	shalt  }
0x43: {  	_ =	shalt  }
0x44: {  	_ =	shalt  }
0x45: {  	_ =	shalt  }
0x46: {  	_ =	shalt  }
0x47: {  	_ =	shalt  }
0x48: {  	_ =	shalt  }
0x49: {  	_ =	shalt  }
0x4a: {  	_ =	shalt  }
0x4b: {  	_ =	shalt  }
0x4c: {  	_ =	shalt  }
0x4d: {  	_ =	shalt  }
0x4e: {  	_ =	shalt  }
0x4f: {  	_ =	shalt  }
0x50: {  	_ =	shalt  }
0x51: {  	_ =	shalt  }
0x52: {  	_ =	shalt  }
0x53: {  	_ =	shalt  }
0x54: {  	_ =	shalt  }
0x55: {  	_ =	shalt  }
0x56: {  	_ =	shalt  }
0x57: {  	_ =	shalt  }
0x58: {  	_ =	shalt  }
0x59: {  	_ =	shalt  }
0x5a: {  	_ =	shalt  }
0x5b: {  	_ =	shalt  }
0x5c: {  	_ =	shalt  }
0x5d: {  	_ =	shalt  }
0x5e: {  	_ =	shalt  }
0x5f: {  	_ =	shalt  }
0x60: {  	_ =	shalt  }
0x61: {  	_ =	shalt  }
0x62: {  	_ =	shalt  }
0x63: {  	_ =	shalt  }
0x64: {  	_ =	shalt  }
0x65: {  	_ =	shalt  }
0x66: {  	_ =	shalt  }
0x67: {  	_ =	shalt  }
0x68: {  	_ =	shalt  }
0x69: {  	_ =	shalt  }
0x6a: {  	_ =	shalt  }
0x6b: {  	_ =	shalt  }
0x6c: {  	_ =	shalt  }
0x6d: {  	_ =	shalt  }
0x6e: {  	_ =	shalt  }
0x6f: {  	_ =	shalt  }
0x70: {  	_ =	shalt  }
0x71: {  	_ =	shalt  }
0x72: {  	_ =	shalt  }
0x73: {  	_ =	shalt  }
0x74: {  	_ =	shalt  }
0x75: {  	_ =	shalt  }
0x76: {  	_ =	shalt  }
0x77: {  	_ =	shalt  }
0x78: {  	_ =	shalt  }
0x79: {  	_ =	shalt  }
0x7a: {  	_ =	shalt  }
0x7b: {  	_ =	shalt  }
0x7c: {  	_ =	shalt  }
0x7d: {  	_ =	shalt  }
0x7e: {  	_ =	shalt  }
0x7f: {  	_ =	shalt  }
0x80: {  	_ =	shalt  }
0x81: {  	_ =	shalt  }
0x82: {  	_ =	shalt  }
0x83: {  	_ =	shalt  }
0x84: {  	_ =	shalt  }
0x85: {  	_ =	shalt  }
0x86: {  	_ =	shalt  }
0x87: {  	_ =	shalt  }
.Lfunc_end0:
.L_simem_size_0:
called_computation.1_lowered:
.L_overlay_start_0:
0x88: {  	s2 =	sld [smem:$0x3FD9]  }
0x89: {  	s3 =	sld [smem:$0x3FFE];
	_ =	sdelay $0x1  }
0x8a: {  	s1 =	srdreg.scid  }
0x8b: {  	s0 =	sand.u32 $0x1, s1  }
0x8c: {  	s17 =	sshll.u32 s0, $0xA;
	s2 =	sadd.s32 s3, s2  }
0x8d: {  	s2 =	sadd.s32 s2, s17  }
0x8e: {  	[smem:$0x3FC6] =	sst s2  }
0x8f: {  	_ = 	snop  }
0x90: {  	s2 =	sld [smem:$0x3FD0];
	(tm) =	ssettm $0x1  }
0x91: {  	s18 =	sld [smem:$0x3FFB];
	_ =	sdelay $0x3  }
0x92: {  	_ =	strace s18  }
0x93: {  	s3 =	sld [smem:$0x3FFC];
	_ =	sdelay $0x3  }
0x94: {  	_ =	strace s3  }
0x95: {  	s3 =	sld [smem:$0x3FFD];
	_ =	sdelay $0x3  }
0x96: {  	_ =	strace s3  }
0x97: {  	_ =	strace $0x8FFFFFFF  }
0x98: {  	s19 =	sld [smem:$0x3FDB];
	_ =	sdelay $0x1  }
0x99: {  	s4 =	simm.s32 $_scs_section_size  }
0x9a: {  	s5 =	simm.s32 $_size__tile_overlayer_lowered;
	s6 =	simm.s32 $_tile_overlayer_lowered  }
0x9b: {  	s22 =	simm.s32 $0x1BFF;
	s21 =	sshll.u32 s6, $0x1;
	s3 =	sadd.s32 s4, s19  }
0x9c: {  	s7 =	simm.s32 $0x0;
	s20 =	sshll.u32 s5, $0x1;
	s5 =	sadd.s32 s21, s3  }
0x9d: {  	[timem:s7], [sflag:s22] =	dma.local [hbm:s5], s20  }
0x9e: {  	_ =	swait.ge [sflag:s22], s20  }
0x9f: {  	s4 =	ssub.s32 $0x0, s20;
	[sflag:s22] =	ssyncset.done $0x0  }
0xa0: {  	[sflag:s22] =	ssyncadd.s32 s4;
	_ =	sdelay $0x1  }
0xa1: {  	s23 =	simm.s32 $0x1B8B  }
0xa2: {  	_ =	swait.ge [sflag:s23], $0x1  }
0xa3: {  	[sflag:s23] =	ssyncset.done $0x0  }
0xa4: {  	s25 =	simm.s32 $0x1B8E;
	s24 =	sld [smem:$0x3FFE];
	[sflag:s23] =	ssyncadd.s32 $0xFFFFFFFF  }
0xa5: {  	s26 =	simm.s32 $execute0_lowered;
	[smem:$0x3FD2] =	sst s25  }
0xa6: {  	s5 =	sshll.u32 s26, $0x1;
	_ =	strace $0x80000046;
	[dreg:$0x1] =	wrdreg $0xFFFFFFFF  }
0xa7: {  	s28 =	simm.s32 $_size_execute0_lowered;
	s3 =	sadd.s32 s3, s5;
	[dreg:$0x0] =	wrdreg $0x0  }
0xa8: {  	s5 =	sshll.u32 s28, $0x1;
	[dreg:$0x2] =	wrdreg s3  }
0xa9: {  	[dreg:$0x3] =	wrdreg s5  }
0xaa: {  	[dreg:$0x4] =	wrdreg $0xC0  }
0xab: {  	_ =	task [dreg:s7], $0x5FFFF  }
0xac: {  	[dreg:$0x1] =	wrdreg $0xFFFFFFFF  }
0xad: {  	[dreg:$0x0] =	wrdreg $0x60  }
0xae: {  	[dreg:$0x2] =	wrdreg s24  }
0xaf: {  	[dreg:$0x3] =	wrdreg s2  }
0xb0: {  	[dreg:$0x4] =	wrdreg $0x9  }
0xb1: {  	_ =	task.clear_ibuf [dreg:s7], $0x5FFFF;
	_ =	strace $0x90000046  }
0xb2: {  	s29 =	simm.s32 $0x9;
	_ =	strace $0x80000048  }
0xb3: {  	_ =	swait.ge [sflag:s29], $0x1  }
0xb4: {  	[sflag:s29] =	ssyncadd.s32 $0xFFFFFFFF  }
0xb5: {  	_ =	strace $0x90000048  }
0xb6: {  	_ =	sfence  }
0xb7: {  	s30 =	sld [smem:$0x0];
	_ =	sdelay $0x2  }
0xb8: {  	s31 =	sshll.u32 s1, $0xD;
	s1 =	sshrl.u32 s1, $0x2  }
0xb9: {  	s3 =	sand.u32 $0x4000, s31;
	s1 =	sadd.s32 s1, s30  }
0xba: {  	s0 =	sor.u32 s3, s0;
	s1 =	sshll.u32 s1, $0x11  }
0xbb: {  	s0 =	sor.u32 s1, s0  }
0xbc: {  	s0 =	sadd.s32 $0x8F2B, s0  }
0xbd: {  	[sflag:s0] =	ssyncadd.remote.s32 $0x1  }
0xbe: {  	_ =	sfence.sel $0xFFFF  }
0xbf: {  	[dreg:$0x0] =	wrdreg $0xFFFFFFFF;
	(pc) =	sbr.abs _section_cstart, $3  }
0xc0: {  	[dreg:$0x1] =	wrdreg $0xFFFFFFFF  }
0xc1: {  	_ =	task.clear_ibuf [dreg:s7], $0x2FFFF;
	_ =	strace $0x9FFFFFFF  }
0xc2: {  	(tm) =	ssettm $0x7FFFFFFF  }
0xc3: {  	_ =	shalt  }
tec
execute0_lowered:
.L_overlay_start_1:
0x0: {  	(tag) =	ssettag $0x1  }
0x1: {  	s0 =	rddreg [dreg:$0x0]  }
0x2: {  	s1 =	srdreg.scid;
	s9 =	stileid.u32  }
0x3: {  	s2 =	rddreg [dreg:$0x1];
	s4 =	simm.s32 $0x0;
	s28 =	simm.s32 $0x3  }
0x4: {  	s1 =	sand.u32 $0x1, s1;
	s3 =	sshll.u32 s9, $0x1;
	s25 =	smul.u32 $0xC8000, s9  }
0x5: {  	[smem:$0x7FF] =	sst s4;
	s10 =	sadd.s32 $0xA00, s0;
	s8 =	smul.u32 $0x6400, s1  }
0x6: {  	s3 =	sor.u32 s1, s3;
	s6 =	ssub.s32 $0x2, s1;
	s1 =	smul.u32 $0x64000, s1  }
0x7: {  	_ =	strace $0x80000047;
	s31 =	smul.u32 $0x6400, s3;
	s11 =	sshrl.u32 s6, $0x1  }
0x8: {  	s5 =	smul.u32 $0x320000, s3;
	s3 =	sadd.s32 $0xF42E00, s0;
	s0 =	ssub.s32 s6, s11  }
0x9: {  	[dreg:$0xb] =	wrdreg s10;
	s4 =	sshrl.u32 s31, $0x3;
	s0 =	smax.u32 s0, $0x1  }
0xa: {  	s5 =	sshrl.u32 s5, $0x3;
	s31 =	sadd.s32 s1, s25;
	[dreg:$0x15] =	wrdreg s0  }
0xb: {  	s2 =	sadd.s32 s2, s4;
	s12 =	sadd.s32 s10, s5;
	[dreg:$0xa] =	wrdreg s31  }
0xc: {  	s30 =	simm.s32 $0xB;
	[dreg:$0xc] =	wrdreg s2;
	s5 =	sadd.s32 $0x5DC00, s12  }
0xd: {  	s7 =	smul.u32 $0xC800, s9;
	s14 =	sadd.s32 $0x5E880, s12;
	[dreg:$0xd] =	wrdreg s5  }
0xe: {  	s9 =	simm.s32 $0xE;
	s15 =	sadd.s32 $0x5F500, s12;
	[dreg:$0xe] =	wrdreg s14  }
0xf: {  	s13 =	sadd.s32 s8, s7;
	s16 =	sadd.s32 $0x60180, s12;
	[dreg:$0xf] =	wrdreg s15  }
0x10: {  	s4 =	sshll.u32 s13, $0x4;
	s18 =	sadd.s32 $0x60E00, s12;
	[dreg:$0x10] =	wrdreg s16  }
0x11: {  	s6 =	simm.s32 $0x5;
	s17 =	sadd.s32 $0x5780, s4;
	[dreg:$0x11] =	wrdreg s18  }
0x12: {  	s7 =	simm.s32 $0xD;
	s20 =	sadd.s32 $0x61A80, s12;
	[dreg:$0x3] =	wrdreg s17  }
0x13: {  	s8 =	simm.s32 $0x6;
	s19 =	sadd.s32 $0x4B00, s4;
	[dreg:$0x12] =	wrdreg s20  }
0x14: {  	s11 =	simm.s32 $0xF;
	s22 =	sadd.s32 $0x62700, s12;
	[dreg:$0x4] =	wrdreg s19  }
0x15: {  	s25 =	simm.s32 $0xA;
	s21 =	sor.u32 $0x3E80, s4;
	[dreg:$0x13] =	wrdreg s22  }
0x16: {  	s1 =	simm.s32 $0x0;
	s23 =	sor.u32 $0x3200, s4;
	[dreg:$0x5] =	wrdreg s21  }
0x17: {  	s0 =	simm.s32 $0x40;
	s24 =	sor.u32 $0x2580, s4;
	[dreg:$0x6] =	wrdreg s23  }
0x18: {  	s10 =	simm.s32 $0x7;
	s2 =	sadd.s32 $0x63380, s12;
	[dreg:$0x7] =	wrdreg s24  }
0x19: {  	s13 =	simm.s32 $0x10;
	s26 =	sor.u32 $0x1900, s4;
	[dreg:$0x14] =	wrdreg s2  }
0x1a: {  	s29 =	sor.u32 $0xC80, s4;
	s12 =	simm.s32 $0x8;
	[dreg:$0x8] =	wrdreg s26  }
0x1b: {  	[dreg:$0x9] =	wrdreg s29;
	s16 =	simm.s32 $0xC8;
	s19 =	simm.s32 $0x80  }
0x1c: {  	s23 =	simm.s32 $0x2;
	s2 =	simm.s32 $0x4;
	s5 =	simm.s32 $0xC  }
.LBB2_1:
0x1d: {  	[dreg:$0x16] =	wrdreg s1  }
0x1e: {  	s4 =	simm.s32 $0x0;
	s14 =	rddreg [dreg:$0xc];
	s22 =	simm.s32 $0x11  }
0x1f: {  	[tilespmem:s4], [sflag:$0x11] =	stream.linear.gather [hbm4b:s14+s4], $0x6400, $0x38;
	[tilespmem:$0x1F400] =	vst v63  }
0x20: {  	_ =	swait.ge [sflag:s22], $0x6400  }
0x21: {  	[sflag:s22] =	ssyncset.done $0x0  }
0x22: {  	s15 =	simm.s32 $0x6400;
	[sflag:s22] =	ssyncadd.s32 $0xFFFF9C00  }
0x23: {  	[tilespmem:s15], [sflag:$0x1] =	stream.indirect.gather [hbm4b:s3+s16], $0x40, s4, s16, $0xb8;
	[tilespmem:$0x1F400] =	vst v63  }
0x24: {  	s17 =	simm.s32 $0x9600  }
0x25: {  	[tilespmem:s17], [sflag:$0x2] =	stream.indirect.gather [hbm4b:s3+s16], $0x40, s16, s16, $0xb8;
	[tilespmem:$0x1F400] =	vst v63  }
0x26: {  	s24 =	simm.s32 $0x190;
	s18 =	simm.s32 $0xC800  }
0x27: {  	[tilespmem:s18], [sflag:$0x3] =	stream.indirect.gather [hbm4b:s3+s16], $0x40, s24, s16, $0xb8;
	[tilespmem:$0x1F400] =	vst v63  }
0x28: {  	s26 =	simm.s32 $0x258;
	s20 =	simm.s32 $0xFA00  }
0x29: {  	[tilespmem:s20], [sflag:$0x4] =	stream.indirect.gather [hbm4b:s3+s16], $0x40, s26, s16, $0xb8;
	[tilespmem:$0x1F400] =	vst v63  }
0x2a: {  	s29 =	simm.s32 $0x320;
	s22 =	simm.s32 $0x12C00  }
0x2b: {  	[tilespmem:s22], [sflag:$0x5] =	stream.indirect.gather [hbm4b:s3+s16], $0x40, s29, s16, $0xb8;
	[tilespmem:$0x1F400] =	vst v63  }
0x2c: {  	s31 =	simm.s32 $0x3E8;
	s24 =	simm.s32 $0x15E00  }
0x2d: {  	[tilespmem:s24], [sflag:$0x6] =	stream.indirect.gather [hbm4b:s3+s16], $0x40, s31, s16, $0xb8;
	[tilespmem:$0x1F400] =	vst v63  }
0x2e: {  	s1 =	simm.s32 $0x4B0;
	s26 =	simm.s32 $0x19000  }
0x2f: {  	[tilespmem:s26], [sflag:$0x7] =	stream.indirect.gather [hbm4b:s3+s16], $0x40, s1, s16, $0xb8;
	[tilespmem:$0x1F400] =	vst v63  }
0x30: {  	s21 =	simm.s32 $0x1C200;
	s14 =	simm.s32 $0x578;
	s29 =	simm.s32 $0x1  }
0x31: {  	[tilespmem:s21], [sflag:$0x8] =	stream.indirect.gather [hbm4b:s3+s16], $0x40, s14, s16, $0xb8;
	[tilespmem:$0x1F400] =	vst v63  }
0x32: {  	_ =	swait.ge [sflag:s29], $0x3200  }
0x33: {  	s31 =	rddreg [dreg:$0xa]  }
0x34: {  	[sflag:s29] =	ssyncset.done $0x0;
	s14 =	rddreg [dreg:$0xb]  }
0x35: {  	[sflag:s29] =	ssyncadd.s32 $0xFFFFCE00;
	s4 =	sadd.s32 s14, s31;
	s29 =	simm.s32 $0x9  }
0x36: {  	[hbm4b:s4+s0] =	stream.strided.scatter [tilespmem:s15], [sflag:$0x9], $0x3200, s19, s0, $0x38;
	[tilespmem:$0x1F400] =	vst v63  }
0x37: {  	_ =	swait.ge [sflag:s29], $0x3200  }
0x38: {  	[sflag:s29] =	ssyncset.done $0x0  }
0x39: {  	s31 =	simm.s32 $0x640;
	[sflag:s29] =	ssyncadd.s32 $0xFFFFCE00  }
0x3a: {  	[tilespmem:s15], [sflag:$0x1] =	stream.indirect.gather [hbm4b:s3+s16], $0x40, s31, s16, $0xb8;
	[tilespmem:$0x1F400] =	vst v63  }
0x3b: {  	_ =	swait.ge [sflag:s23], $0x3200  }
0x3c: {  	s1 =	rddreg [dreg:$0x9];
	[sflag:s23] =	ssyncset.done $0x0  }
0x3d: {  	[sflag:s23] =	ssyncadd.s32 $0xFFFFCE00;
	s4 =	sadd.s32 s14, s1  }
0x3e: {  	[hbm4b:s4+s0] =	stream.strided.scatter [tilespmem:s17], [sflag:$0xA], $0x3200, s19, s0, $0x38;
	[tilespmem:$0x1F400] =	vst v63  }
0x3f: {  	_ =	swait.ge [sflag:s25], $0x3200  }
0x40: {  	[sflag:s25] =	ssyncset.done $0x0  }
0x41: {  	s15 =	simm.s32 $0x708;
	[sflag:s25] =	ssyncadd.s32 $0xFFFFCE00  }
0x42: {  	[tilespmem:s17], [sflag:$0x2] =	stream.indirect.gather [hbm4b:s3+s16], $0x40, s15, s16, $0xb8;
	[tilespmem:$0x1F400] =	vst v63  }
0x43: {  	_ =	swait.ge [sflag:s28], $0x3200  }
0x44: {  	s29 =	rddreg [dreg:$0x8];
	[sflag:s28] =	ssyncset.done $0x0  }
0x45: {  	[sflag:s28] =	ssyncadd.s32 $0xFFFFCE00;
	s4 =	sadd.s32 s14, s29  }
0x46: {  	[hbm4b:s4+s0] =	stream.strided.scatter [tilespmem:s18], [sflag:$0xB], $0x3200, s19, s0, $0x38;
	[tilespmem:$0x1F400] =	vst v63  }
0x47: {  	_ =	swait.ge [sflag:s30], $0x3200  }
0x48: {  	[sflag:s30] =	ssyncset.done $0x0  }
0x49: {  	s31 =	simm.s32 $0x7D0;
	[sflag:s30] =	ssyncadd.s32 $0xFFFFCE00  }
0x4a: {  	[tilespmem:s18], [sflag:$0x3] =	stream.indirect.gather [hbm4b:s3+s16], $0x40, s31, s16, $0xb8;
	[tilespmem:$0x1F400] =	vst v63  }
0x4b: {  	_ =	swait.ge [sflag:s2], $0x3200  }
0x4c: {  	s1 =	rddreg [dreg:$0x7];
	[sflag:s2] =	ssyncset.done $0x0  }
0x4d: {  	[sflag:s2] =	ssyncadd.s32 $0xFFFFCE00;
	s4 =	sadd.s32 s14, s1  }
0x4e: {  	[hbm4b:s4+s0] =	stream.strided.scatter [tilespmem:s20], [sflag:$0xC], $0x3200, s19, s0, $0x38;
	[tilespmem:$0x1F400] =	vst v63  }
0x4f: {  	_ =	swait.ge [sflag:s5], $0x3200  }
0x50: {  	[sflag:s5] =	ssyncset.done $0x0  }
0x51: {  	s15 =	simm.s32 $0x898;
	[sflag:s5] =	ssyncadd.s32 $0xFFFFCE00  }
0x52: {  	[tilespmem:s20], [sflag:$0x4] =	stream.indirect.gather [hbm4b:s3+s16], $0x40, s15, s16, $0xb8;
	[tilespmem:$0x1F400] =	vst v63  }
0x53: {  	_ =	swait.ge [sflag:s6], $0x3200  }
0x54: {  	s17 =	rddreg [dreg:$0x6];
	[sflag:s6] =	ssyncset.done $0x0  }
0x55: {  	[sflag:s6] =	ssyncadd.s32 $0xFFFFCE00;
	s4 =	sadd.s32 s14, s17  }
0x56: {  	[hbm4b:s4+s0] =	stream.strided.scatter [tilespmem:s22], [sflag:$0xD], $0x3200, s19, s0, $0x38;
	[tilespmem:$0x1F400] =	vst v63  }
0x57: {  	_ =	swait.ge [sflag:s7], $0x3200  }
0x58: {  	[sflag:s7] =	ssyncset.done $0x0  }
0x59: {  	s18 =	simm.s32 $0x960;
	[sflag:s7] =	ssyncadd.s32 $0xFFFFCE00  }
0x5a: {  	[tilespmem:s22], [sflag:$0x5] =	stream.indirect.gather [hbm4b:s3+s16], $0x40, s18, s16, $0xb8;
	[tilespmem:$0x1F400] =	vst v63  }
0x5b: {  	_ =	swait.ge [sflag:s8], $0x3200  }
0x5c: {  	s20 =	rddreg [dreg:$0x5];
	[sflag:s8] =	ssyncset.done $0x0  }
0x5d: {  	[sflag:s8] =	ssyncadd.s32 $0xFFFFCE00;
	s4 =	sadd.s32 s14, s20  }
0x5e: {  	[hbm4b:s4+s0] =	stream.strided.scatter [tilespmem:s24], [sflag:$0xE], $0x3200, s19, s0, $0x38;
	[tilespmem:$0x1F400] =	vst v63  }
0x5f: {  	_ =	swait.ge [sflag:s9], $0x3200  }
0x60: {  	[sflag:s9] =	ssyncset.done $0x0  }
0x61: {  	s22 =	simm.s32 $0xA28;
	[sflag:s9] =	ssyncadd.s32 $0xFFFFCE00  }
0x62: {  	[tilespmem:s24], [sflag:$0x6] =	stream.indirect.gather [hbm4b:s3+s16], $0x40, s22, s16, $0xb8;
	[tilespmem:$0x1F400] =	vst v63  }
0x63: {  	_ =	swait.ge [sflag:s10], $0x3200  }
0x64: {  	s24 =	rddreg [dreg:$0x4];
	[sflag:s10] =	ssyncset.done $0x0  }
0x65: {  	[sflag:s10] =	ssyncadd.s32 $0xFFFFCE00;
	s4 =	sadd.s32 s14, s24  }
0x66: {  	[hbm4b:s4+s0] =	stream.strided.scatter [tilespmem:s26], [sflag:$0xF], $0x3200, s19, s0, $0x38;
	[tilespmem:$0x1F400] =	vst v63  }
0x67: {  	_ =	swait.ge [sflag:s11], $0x3200  }
0x68: {  	[sflag:s11] =	ssyncset.done $0x0  }
0x69: {  	s29 =	simm.s32 $0xAF0;
	[sflag:s11] =	ssyncadd.s32 $0xFFFFCE00  }
0x6a: {  	[tilespmem:s26], [sflag:$0x7] =	stream.indirect.gather [hbm4b:s3+s16], $0x40, s29, s16, $0xb8;
	[tilespmem:$0x1F400] =	vst v63  }
0x6b: {  	_ =	swait.ge [sflag:s12], $0x3200  }
0x6c: {  	s31 =	rddreg [dreg:$0x3];
	[sflag:s12] =	ssyncset.done $0x0  }
0x6d: {  	[sflag:s12] =	ssyncadd.s32 $0xFFFFCE00;
	s4 =	sadd.s32 s14, s31  }
0x6e: {  	[hbm4b:s4+s0] =	stream.strided.scatter [tilespmem:s21], [sflag:$0x10], $0x3200, s19, s0, $0x38;
	[tilespmem:$0x1F400] =	vst v63  }
0x6f: {  	_ =	swait.ge [sflag:s13], $0x3200  }
0x70: {  	s15 =	simm.s32 $0x1900;
	[sflag:s13] =	ssyncset.done $0x0  }
0x71: {  	s14 =	sadd.s32 $0x6400, s14;
	s4 =	simm.s32 $0xBB8;
	[sflag:s13] =	ssyncadd.s32 $0xFFFFCE00  }
.LBB2_2:
0x72: {  	s21 =	simm.s32 $0x1C200;
	s1 =	simm.s32 $0x1  }
0x73: {  	[tilespmem:s21], [sflag:$0x8] =	stream.indirect.gather [hbm4b:s3+s16], $0x40, s4, s16, $0xb8;
	[tilespmem:$0x1F400] =	vst v63  }
0x74: {  	_ =	swait.ge [sflag:s1], $0x3200  }
0x75: {  	s20 =	simm.s32 $0x6400;
	s17 =	rddreg [dreg:$0xa];
	[sflag:s1] =	ssyncset.done $0x0  }
0x76: {  	s26 =	simm.s32 $0x9;
	[sflag:s1] =	ssyncadd.s32 $0xFFFFCE00;
	s17 =	sadd.s32 s14, s17  }
0x77: {  	[hbm4b:s17+s0] =	stream.strided.scatter [tilespmem:s20], [sflag:$0x9], $0x3200, s19, s0, $0x38;
	[tilespmem:$0x1F400] =	vst v63  }
0x78: {  	s24 =	smov.u32 s15;
	_ =	swait.ge [sflag:s26], $0x3200  }
0x79: {  	s4 =	sshra.s32 s24, $0x2;
	[sflag:s26] =	ssyncset.done $0x0  }
0x7a: {  	s1 =	sadd.s32 $0x640, s4;
	[sflag:s26] =	ssyncadd.s32 $0xFFFFCE00  }
0x7b: {  	[tilespmem:s20], [sflag:$0x1] =	stream.indirect.gather [hbm4b:s3+s16], $0x40, s1, s16, $0xb8;
	[tilespmem:$0x1F400] =	vst v63  }
0x7c: {  	_ =	swait.ge [sflag:s23], $0x3200  }
0x7d: {  	s22 =	rddreg [dreg:$0x9];
	[sflag:s23] =	ssyncset.done $0x0  }
0x7e: {  	[sflag:s23] =	ssyncadd.s32 $0xFFFFCE00;
	s17 =	sadd.s32 s14, s22;
	s22 =	simm.s32 $0x9600  }
0x7f: {  	[hbm4b:s17+s0] =	stream.strided.scatter [tilespmem:s22], [sflag:$0xA], $0x3200, s19, s0, $0x38;
	[tilespmem:$0x1F400] =	vst v63  }
0x80: {  	_ =	swait.ge [sflag:s25], $0x3200  }
0x81: {  	[sflag:s25] =	ssyncset.done $0x0  }
0x82: {  	s24 =	sadd.s32 $0x708, s4;
	[sflag:s25] =	ssyncadd.s32 $0xFFFFCE00  }
0x83: {  	[tilespmem:s22], [sflag:$0x2] =	stream.indirect.gather [hbm4b:s3+s16], $0x40, s24, s16, $0xb8;
	[tilespmem:$0x1F400] =	vst v63  }
0x84: {  	_ =	swait.ge [sflag:s28], $0x3200  }
0x85: {  	s26 =	rddreg [dreg:$0x8];
	[sflag:s28] =	ssyncset.done $0x0  }
0x86: {  	s24 =	simm.s32 $0xC800;
	[sflag:s28] =	ssyncadd.s32 $0xFFFFCE00;
	s17 =	sadd.s32 s14, s26  }
0x87: {  	[hbm4b:s17+s0] =	stream.strided.scatter [tilespmem:s24], [sflag:$0xB], $0x3200, s19, s0, $0x38;
	[tilespmem:$0x1F400] =	vst v63  }
0x88: {  	_ =	swait.ge [sflag:s30], $0x3200  }
0x89: {  	[sflag:s30] =	ssyncset.done $0x0  }
0x8a: {  	s1 =	sadd.s32 $0x7D0, s4;
	[sflag:s30] =	ssyncadd.s32 $0xFFFFCE00  }
0x8b: {  	[tilespmem:s24], [sflag:$0x3] =	stream.indirect.gather [hbm4b:s3+s16], $0x40, s1, s16, $0xb8;
	[tilespmem:$0x1F400] =	vst v63  }
0x8c: {  	_ =	swait.ge [sflag:s2], $0x3200  }
0x8d: {  	s26 =	rddreg [dreg:$0x7];
	[sflag:s2] =	ssyncset.done $0x0  }
0x8e: {  	[sflag:s2] =	ssyncadd.s32 $0xFFFFCE00;
	s17 =	sadd.s32 s14, s26;
	s26 =	simm.s32 $0xFA00  }
0x8f: {  	[hbm4b:s17+s0] =	stream.strided.scatter [tilespmem:s26], [sflag:$0xC], $0x3200, s19, s0, $0x38;
	[tilespmem:$0x1F400] =	vst v63  }
0x90: {  	_ =	swait.ge [sflag:s5], $0x3200  }
0x91: {  	[sflag:s5] =	ssyncset.done $0x0  }
0x92: {  	s1 =	sadd.s32 $0x898, s4;
	[sflag:s5] =	ssyncadd.s32 $0xFFFFCE00  }
0x93: {  	[tilespmem:s26], [sflag:$0x4] =	stream.indirect.gather [hbm4b:s3+s16], $0x40, s1, s16, $0xb8;
	[tilespmem:$0x1F400] =	vst v63  }
0x94: {  	_ =	swait.ge [sflag:s6], $0x3200  }
0x95: {  	s26 =	rddreg [dreg:$0x6];
	[sflag:s6] =	ssyncset.done $0x0  }
0x96: {  	s29 =	simm.s32 $0x12C00;
	[sflag:s6] =	ssyncadd.s32 $0xFFFFCE00;
	s17 =	sadd.s32 s14, s26  }
0x97: {  	[hbm4b:s17+s0] =	stream.strided.scatter [tilespmem:s29], [sflag:$0xD], $0x3200, s19, s0, $0x38;
	[tilespmem:$0x1F400] =	vst v63  }
0x98: {  	_ =	swait.ge [sflag:s7], $0x3200  }
0x99: {  	[sflag:s7] =	ssyncset.done $0x0  }
0x9a: {  	s1 =	sadd.s32 $0x960, s4;
	[sflag:s7] =	ssyncadd.s32 $0xFFFFCE00  }
0x9b: {  	[tilespmem:s29], [sflag:$0x5] =	stream.indirect.gather [hbm4b:s3+s16], $0x40, s1, s16, $0xb8;
	[tilespmem:$0x1F400] =	vst v63  }
0x9c: {  	_ =	swait.ge [sflag:s8], $0x3200  }
0x9d: {  	s1 =	rddreg [dreg:$0x5];
	[sflag:s8] =	ssyncset.done $0x0  }
0x9e: {  	s31 =	simm.s32 $0x15E00;
	[sflag:s8] =	ssyncadd.s32 $0xFFFFCE00;
	s17 =	sadd.s32 s14, s1  }
0x9f: {  	[hbm4b:s17+s0] =	stream.strided.scatter [tilespmem:s31], [sflag:$0xE], $0x3200, s19, s0, $0x38;
	[tilespmem:$0x1F400] =	vst v63  }
0xa0: {  	_ =	swait.ge [sflag:s9], $0x3200  }
0xa1: {  	[sflag:s9] =	ssyncset.done $0x0  }
0xa2: {  	s1 =	sadd.s32 $0xA28, s4;
	[sflag:s9] =	ssyncadd.s32 $0xFFFFCE00  }
0xa3: {  	[tilespmem:s31], [sflag:$0x6] =	stream.indirect.gather [hbm4b:s3+s16], $0x40, s1, s16, $0xb8;
	[tilespmem:$0x1F400] =	vst v63  }
0xa4: {  	_ =	swait.ge [sflag:s10], $0x3200  }
0xa5: {  	s1 =	rddreg [dreg:$0x4];
	[sflag:s10] =	ssyncset.done $0x0  }
0xa6: {  	[sflag:s10] =	ssyncadd.s32 $0xFFFFCE00;
	s17 =	sadd.s32 s14, s1;
	s1 =	simm.s32 $0x19000  }
0xa7: {  	[hbm4b:s17+s0] =	stream.strided.scatter [tilespmem:s1], [sflag:$0xF], $0x3200, s19, s0, $0x38;
	[tilespmem:$0x1F400] =	vst v63  }
0xa8: {  	_ =	swait.ge [sflag:s11], $0x3200  }
0xa9: {  	p0 =	sne.s32 s15, $0x15E00;
	[sflag:s11] =	ssyncset.done $0x0  }
0xaa: {  	s15 =	sadd.s32 $0x1900, s15;
	s17 =	sadd.s32 $0xAF0, s4;
	[sflag:s11] =	ssyncadd.s32 $0xFFFFCE00  }
0xab: {  	[tilespmem:s1], [sflag:$0x7] =	stream.indirect.gather [hbm4b:s3+s16], $0x40, s17, s16, $0xb8;
	[tilespmem:$0x1F400] =	vst v63  }
0xac: {  	s18 =	simm.s32 $0x6400;
	s20 =	simm.s32 $0x9600;
	_ =	swait.ge [sflag:s12], $0x3200  }
0xad: {  	s22 =	simm.s32 $0xC800;
	s1 =	rddreg [dreg:$0x3];
	[sflag:s12] =	ssyncset.done $0x0  }
.Ltmp0:
0xae: {  	[sflag:s12] =	ssyncadd.s32 $0xFFFFCE00;
	s17 =	sadd.s32 s14, s1;
	(pc) =	sbr.rel @p0 .LBB2_2-.Ltmp0, $4  }
0xaf: {  	[hbm4b:s17+s0] =	stream.strided.scatter [tilespmem:s21], [sflag:$0x10], $0x3200, s19, s0, $0x38;
	[tilespmem:$0x1F400] =	vst v63  }
0xb0: {  	s24 =	simm.s32 $0xFA00;
	s26 =	simm.s32 $0x12C00;
	_ =	swait.ge [sflag:s13], $0x3200  }
0xb1: {  	s29 =	simm.s32 $0x15E00;
	s31 =	simm.s32 $0x19000;
	[sflag:s13] =	ssyncset.done $0x0  }
0xb2: {  	s4 =	sadd.s32 $0xBB8, s4;
	s14 =	sadd.s32 $0x6400, s14;
	[sflag:s13] =	ssyncadd.s32 $0xFFFFCE00  }
0xb3: {  	s1 =	simm.s32 $0x1C200;
	s21 =	simm.s32 $0x1  }
0xb4: {  	[tilespmem:s1], [sflag:$0x8] =	stream.indirect.gather [hbm4b:s3+s16], $0x40, s4, s16, $0xb8;
	[tilespmem:$0x1F400] =	vst v63  }
0xb5: {  	_ =	swait.ge [sflag:s21], $0x3200  }
0xb6: {  	[sflag:s21] =	ssyncset.done $0x0  }
0xb7: {  	s15 =	simm.s32 $0x9;
	s14 =	rddreg [dreg:$0xd];
	[sflag:s21] =	ssyncadd.s32 $0xFFFFCE00  }
0xb8: {  	[hbm4b:s14+s0] =	stream.strided.scatter [tilespmem:s18], [sflag:$0x9], $0x3200, s19, s0, $0x38;
	[tilespmem:$0x1F400] =	vst v63  }
0xb9: {  	_ =	swait.ge [sflag:s15], $0x3200  }
0xba: {  	[sflag:s15] =	ssyncset.done $0x0  }
0xbb: {  	[sflag:s15] =	ssyncadd.s32 $0xFFFFCE00  }
0xbc: {  	_ =	swait.ge [sflag:s23], $0x3200  }
0xbd: {  	[sflag:s23] =	ssyncset.done $0x0  }
0xbe: {  	s17 =	rddreg [dreg:$0xe];
	[sflag:s23] =	ssyncadd.s32 $0xFFFFCE00  }
0xbf: {  	[hbm4b:s17+s0] =	stream.strided.scatter [tilespmem:s20], [sflag:$0xA], $0x3200, s19, s0, $0x38;
	[tilespmem:$0x1F400] =	vst v63  }
0xc0: {  	_ =	swait.ge [sflag:s25], $0x3200  }
0xc1: {  	[sflag:s25] =	ssyncset.done $0x0  }
0xc2: {  	[sflag:s25] =	ssyncadd.s32 $0xFFFFCE00  }
0xc3: {  	_ =	swait.ge [sflag:s28], $0x3200  }
0xc4: {  	[sflag:s28] =	ssyncset.done $0x0  }
0xc5: {  	s18 =	rddreg [dreg:$0xf];
	[sflag:s28] =	ssyncadd.s32 $0xFFFFCE00  }
0xc6: {  	[hbm4b:s18+s0] =	stream.strided.scatter [tilespmem:s22], [sflag:$0xB], $0x3200, s19, s0, $0x38;
	[tilespmem:$0x1F400] =	vst v63  }
0xc7: {  	_ =	swait.ge [sflag:s30], $0x3200  }
0xc8: {  	[sflag:s30] =	ssyncset.done $0x0  }
0xc9: {  	[sflag:s30] =	ssyncadd.s32 $0xFFFFCE00  }
0xca: {  	_ =	swait.ge [sflag:s2], $0x3200  }
0xcb: {  	[sflag:s2] =	ssyncset.done $0x0  }
0xcc: {  	s20 =	rddreg [dreg:$0x10];
	[sflag:s2] =	ssyncadd.s32 $0xFFFFCE00  }
0xcd: {  	[hbm4b:s20+s0] =	stream.strided.scatter [tilespmem:s24], [sflag:$0xC], $0x3200, s19, s0, $0x38;
	[tilespmem:$0x1F400] =	vst v63  }
0xce: {  	_ =	swait.ge [sflag:s5], $0x3200  }
0xcf: {  	[sflag:s5] =	ssyncset.done $0x0  }
0xd0: {  	[sflag:s5] =	ssyncadd.s32 $0xFFFFCE00  }
0xd1: {  	_ =	swait.ge [sflag:s6], $0x3200  }
0xd2: {  	[sflag:s6] =	ssyncset.done $0x0  }
0xd3: {  	s21 =	rddreg [dreg:$0x11];
	[sflag:s6] =	ssyncadd.s32 $0xFFFFCE00  }
0xd4: {  	[hbm4b:s21+s0] =	stream.strided.scatter [tilespmem:s26], [sflag:$0xD], $0x3200, s19, s0, $0x38;
	[tilespmem:$0x1F400] =	vst v63  }
0xd5: {  	_ =	swait.ge [sflag:s7], $0x3200  }
0xd6: {  	[sflag:s7] =	ssyncset.done $0x0  }
0xd7: {  	[sflag:s7] =	ssyncadd.s32 $0xFFFFCE00  }
0xd8: {  	_ =	swait.ge [sflag:s8], $0x3200  }
0xd9: {  	[sflag:s8] =	ssyncset.done $0x0  }
0xda: {  	s22 =	rddreg [dreg:$0x12];
	[sflag:s8] =	ssyncadd.s32 $0xFFFFCE00  }
0xdb: {  	[hbm4b:s22+s0] =	stream.strided.scatter [tilespmem:s29], [sflag:$0xE], $0x3200, s19, s0, $0x38;
	[tilespmem:$0x1F400] =	vst v63  }
0xdc: {  	_ =	swait.ge [sflag:s9], $0x3200  }
0xdd: {  	[sflag:s9] =	ssyncset.done $0x0  }
0xde: {  	[sflag:s9] =	ssyncadd.s32 $0xFFFFCE00  }
0xdf: {  	_ =	swait.ge [sflag:s10], $0x3200  }
0xe0: {  	[sflag:s10] =	ssyncset.done $0x0  }
0xe1: {  	s24 =	rddreg [dreg:$0x13];
	[sflag:s10] =	ssyncadd.s32 $0xFFFFCE00  }
0xe2: {  	[hbm4b:s24+s0] =	stream.strided.scatter [tilespmem:s31], [sflag:$0xF], $0x3200, s19, s0, $0x38;
	[tilespmem:$0x1F400] =	vst v63  }
0xe3: {  	_ =	swait.ge [sflag:s11], $0x3200  }
0xe4: {  	[sflag:s11] =	ssyncset.done $0x0  }
0xe5: {  	[sflag:s11] =	ssyncadd.s32 $0xFFFFCE00  }
0xe6: {  	_ =	swait.ge [sflag:s12], $0x3200  }
0xe7: {  	[sflag:s12] =	ssyncset.done $0x0  }
0xe8: {  	s26 =	rddreg [dreg:$0x14];
	[sflag:s12] =	ssyncadd.s32 $0xFFFFCE00  }
0xe9: {  	[hbm4b:s26+s0] =	stream.strided.scatter [tilespmem:s1], [sflag:$0x10], $0x3200, s19, s0, $0x38;
	[tilespmem:$0x1F400] =	vst v63  }
0xea: {  	_ =	swait.ge [sflag:s13], $0x3200  }
0xeb: {  	s29 =	rddreg [dreg:$0x16]  }
0xec: {  	s31 =	rddreg [dreg:$0x15];
	s1 =	sadd.s32 $0x1, s29  }
0xed: {  	p0 =	sne.s32 s1, s31  }
.Ltmp1:
0xee: {  	_ = 	snop;
	(pc) =	sbr.rel @p0 .LBB2_1-.Ltmp1, $3  }
0xef: {  	_ =	sdelay $0x1  }
0xf0: {  	[sflag:s13] =	ssyncset.done $0x0  }
0xf1: {  	[sflag:s13] =	ssyncadd.s32 $0xFFFFCE00  }
0xf2: {  	_ =	sfence.sel $0x180000  }
0xf3: {  	[bflag:$0x0] =	sbarrier.arrive $0xFFFF  }
0xf4: {  	_ =	strace $0x90000047  }
0xf5: {  	s0 =	stileid.u32;
	[bflag:$0x2] =	sbarrier.arrive $0xFFFF  }
0xf6: {  	p0 =	sne.s32 s0, $0x0;
	s0 =	rddreg [dreg:$0x2]  }
0xf7: {  	s0 =	sadd.s32 @!p0 $0x100000, s0  }
0xf8: {  	[sflag:s0] =	ssyncadd.tile.s32 @!p0 $0x1;
	_ =	shalt  }
.Lfunc_end2:
_tile_overlayer_lowered:
.L_overlay_start_2:
0xf9: {  	(tag) =	ssettag $0x2  }
0xfa: {  	s0 =	rddreg [dreg:$0x0];
	s2 =	stileid.u32  }
0xfb: {  	s1 =	rddreg [dreg:$0x1];
	p0 =	sne.s32 s2, $0x0  }
0xfc: {  	s3 =	rddreg [dreg:$0x2];
	[bflag:$0x3] =	sbarrier.arrive $0xFFFF;
	s2 =	simm.s32 @!p0 $0x1C11  }
0xfd: {  	[timem:s3], [sflag:s2] =	dma.local @!p0 [hbm:s0], s1  }
0xfe: {  	s0 =	simm.s32 @!p0 $0x11  }
0xff: {  	_ =	swait.ge @!p0 [sflag:s0], s1  }
0x100: {  	s1 =	ssub.s32 @!p0 $0x0, s1;
	[sflag:s0] =	ssyncset.done @!p0 $0x0  }
0x101: {  	[sflag:s0] =	ssyncadd.s32 @!p0 s1  }
0x102: {  	[bflag:$0x3] =	sbarrier.arrive $0xFFFF  }
0x103: {  	_ =	shalt  }

// kernel: sparse-core-data-format-call.cloned.1.call-start
scs
called_computation_lowered:
.L_overlay_start_0:
0x0: {  	s2 =	sld [smem:$0x3FD9]  }
0x1: {  	s3 =	sld [smem:$0x3FFE];
	_ =	sdelay $0x1  }
0x2: {  	s1 =	srdreg.scid  }
0x3: {  	s0 =	sand.u32 $0x1, s1  }
0x4: {  	s18 =	sshll.u32 s0, $0xA;
	s2 =	sadd.s32 s3, s2  }
0x5: {  	s2 =	sadd.s32 s2, s18  }
0x6: {  	[smem:$0x3FC6] =	sst s2  }
0x7: {  	_ = 	snop  }
0x8: {  	s2 =	sld [smem:$0x3FD0];
	(tm) =	ssettm $0x1  }
0x9: {  	s19 =	sld [smem:$0x3FFB];
	_ =	sdelay $0x3  }
0xa: {  	_ =	strace s19  }
0xb: {  	s3 =	sld [smem:$0x3FFC];
	_ =	sdelay $0x3  }
0xc: {  	_ =	strace s3  }
0xd: {  	s3 =	sld [smem:$0x3FFD];
	_ =	sdelay $0x3  }
0xe: {  	_ =	strace s3  }
0xf: {  	_ =	strace $0x8FFFFFFF  }
0x10: {  	s20 =	sld [smem:$0x3FDB];
	_ =	sdelay $0x1  }
0x11: {  	s4 =	simm.s32 $_scs_section_size  }
0x12: {  	s5 =	simm.s32 $_size__tile_overlayer_lowered;
	s6 =	simm.s32 $_tile_overlayer_lowered  }
0x13: {  	s23 =	simm.s32 $0x1BFF;
	s22 =	sshll.u32 s6, $0x1;
	s3 =	sadd.s32 s4, s20  }
0x14: {  	s7 =	simm.s32 $0x0;
	s21 =	sshll.u32 s5, $0x1;
	s5 =	sadd.s32 s22, s3  }
0x15: {  	[timem:s7], [sflag:s23] =	dma.local [hbm:s5], s21  }
0x16: {  	_ =	swait.ge [sflag:s23], s21  }
0x17: {  	s4 =	ssub.s32 $0x0, s21;
	[sflag:s23] =	ssyncset.done $0x0  }
0x18: {  	[sflag:s23] =	ssyncadd.s32 s4;
	_ =	sdelay $0x1  }
0x19: {  	s24 =	simm.s32 $0x1B8B  }
0x1a: {  	_ =	swait.ge [sflag:s24], $0x1  }
0x1b: {  	[sflag:s24] =	ssyncset.done $0x0  }
0x1c: {  	s26 =	simm.s32 $0x1B8E;
	s25 =	sld [smem:$0x3FFE];
	[sflag:s24] =	ssyncadd.s32 $0xFFFFFFFF  }
0x1d: {  	s27 =	simm.s32 $execute0_lowered;
	[smem:$0x3FD2] =	sst s26  }
0x1e: {  	s5 =	sshll.u32 s27, $0x1;
	_ =	strace $0x80000049;
	[dreg:$0x1] =	wrdreg $0xFFFFFFFF  }
0x1f: {  	s28 =	simm.s32 $_size_execute0_lowered;
	s3 =	sadd.s32 s3, s5;
	[dreg:$0x0] =	wrdreg $0x0  }
0x20: {  	s5 =	sshll.u32 s28, $0x1;
	[dreg:$0x2] =	wrdreg s3  }
0x21: {  	[dreg:$0x3] =	wrdreg s5  }
0x22: {  	[dreg:$0x4] =	wrdreg $0xC0  }
0x23: {  	_ =	task [dreg:s7], $0x5FFFF  }
0x24: {  	[dreg:$0x1] =	wrdreg $0xFFFFFFFF  }
0x25: {  	[dreg:$0x0] =	wrdreg $0x60  }
0x26: {  	[dreg:$0x2] =	wrdreg s25  }
0x27: {  	[dreg:$0x3] =	wrdreg s2  }
0x28: {  	[dreg:$0x4] =	wrdreg $0x9  }
0x29: {  	_ =	task.clear_ibuf [dreg:s7], $0x5FFFF;
	_ =	strace $0x90000049  }
0x2a: {  	s29 =	simm.s32 $0x9;
	_ =	strace $0x8000004B  }
0x2b: {  	_ =	swait.ge [sflag:s29], $0x1  }
0x2c: {  	[sflag:s29] =	ssyncadd.s32 $0xFFFFFFFF  }
0x2d: {  	_ =	strace $0x9000004B  }
0x2e: {  	_ =	sfence  }
0x2f: {  	s30 =	sld [smem:$0x0];
	_ =	sdelay $0x2  }
0x30: {  	s31 =	sshll.u32 s1, $0xD;
	s1 =	sshrl.u32 s1, $0x2  }
0x31: {  	s3 =	sand.u32 $0x4000, s31;
	s1 =	sadd.s32 s1, s30  }
0x32: {  	s0 =	sor.u32 s3, s0;
	s1 =	sshll.u32 s1, $0x11  }
0x33: {  	s0 =	sor.u32 s1, s0  }
0x34: {  	s0 =	sadd.s32 $0x8F2B, s0  }
0x35: {  	[sflag:s0] =	ssyncadd.remote.s32 $0x1  }
0x36: {  	_ =	sfence.sel $0xFFFF  }
0x37: {  	[dreg:$0x0] =	wrdreg $0xFFFFFFFF;
	(pc) =	sbr.abs _section_cstart, $3  }
0x38: {  	[dreg:$0x1] =	wrdreg $0xFFFFFFFF  }
0x39: {  	_ =	task.clear_ibuf [dreg:s7], $0x2FFFF;
	_ =	strace $0x9FFFFFFF  }
0x3a: {  	(tm) =	ssettm $0x7FFFFFFF  }
0x3b: {  	_ =	shalt  }
tec
execute0_lowered:
.L_overlay_start_1:
0x0: {  	(tag) =	ssettag $0x1  }
0x1: {  	s0 =	srdreg.scid  }
0x2: {  	s1 =	sshll.u32 s0, $0x4  }
0x3: {  	s0 =	stileid.u32;
	s1 =	sand.u32 $0x10, s1  }
0x4: {  	s1 =	sor.u32 s0, s1  }
0x5: {  	s6 =	rddreg [dreg:$0x0];
	s4 =	simm.s32 $0x1;
	s2 =	sshll.u32 s1, $0x7  }
0x6: {  	s7 =	simm.s32 $0x2;
	s12 =	simm.s32 $0x0;
	s1 =	ssub.s32 $0x1000, s2  }
0x7: {  	s8 =	simm.s32 $0x8000;
	s13 =	simm.s32 $0x0;
	s3 =	sand.u32 $0xF80, s1  }
0x8: {  	s9 =	simm.s32 $0x0;
	s5 =	sshrl.u32 s1, $0xC;
	p0 =	sne.s32 s3, $0x0  }
.Ltmp0:
0x9: {  	s1 =	rddreg [dreg:$0x2];
	s4 =	simm.s32 @!p0 $0x0;
	(pc) =	sbr.rel .LBB1_1-.Ltmp0, $4  }
0xa: {  	s11 =	simm.s32 $0x0;
	s3 =	rddreg [dreg:$0x1];
	s5 =	sadd.s32 s4, s5  }
0xb: {  	_ =	strace $0x8000004A;
	s4 =	simm.s32 $0x1;
	s5 =	smul.u32 $0xC8, s5  }
0xc: {  	s6 =	sadd.s32 $0xA00, s6;
	s10 =	smov.u32 s2;
	[sflag:s4] =	ssyncpa.u1 $0x0  }
0xd: {  	p0 =	por $0x0, $0x0;
	[sflag:s7] =	ssyncpa.u1 $0x0;
	s7 =	sor.u32 $0x1, s5  }
.LBB1_4:
0xe: {  	s16 =	sshll.u32 s13, $0x3;
	s17 =	sand.u32 $0x78, s13  }
0xf: {  	s30 =	sand.u32 $0x7E00, s13;
	s12 =	sshll.u32 s12, $0xF;
	s16 =	sand.u32 $0xC00, s16  }
0x10: {  	[tilespmem:s15+$0x810 ss:$0x81] =	vst.msk $0xffff, v2;
	s31 =	sand.u32 $0x7, s13;
	s16 =	sor.u32 s17, s16;
	s17 =	sadd.s32 s3, s30  }
0x11: {  	[tilespmem:s15+$0x1020 ss:$0x81] =	vst.msk $0xffff, v0;
	s13 =	sshll.u32 s31, $0x12;
	s12 =	sadd.s32 s12, s17;
	s16 =	sshrl.u32 s16, $0x3  }
0x12: {  	[tilespmem:s15+$0x0 ss:$0x81] =	vst.msk $0xffff, v1;
	s13 =	sor.u32 $0x400, s13;
	s12 =	sadd.s32 s16, s12  }
0x13: {  	[hbm4b:s12+s13] =	stream.strided.scatter [tilespmem:s14], [sflag:$0x2], $0x2000, s8, s13, $0x20;
	[tilespmem:$0x8080] =	vst v63  }
.LBB1_5:
0x14: {  	s14 =	sadd.s32 $0x1, s9  }
0x15: {  	s12 =	sadd.s32 $0x1000, s10;
	s16 =	smov.u32 s10;
	p2 =	sgt.s32 s14, $0xC7  }
0x16: {  	s16 =	smov.u32 @p2 s12  }
0x17: {  	s14 =	simm.s32 @p2 $0x0;
	p2 =	sgt.s32 s16, $0xFFF  }
0x18: {  	s16 =	smov.u32 @p2 s2;
	p2 =	sne.s32 s11, s7  }
.Ltmp1:
0x19: {  	p1 =	slt.u32 s11, $0x2;
	(pc) =	sbr.rel @!p2 .LBB1_6-.Ltmp1, $4  }
0x1a: {  	s15 =	simm.s32 @!p1 $0x2  }
0x1b: {  	s13 =	smov.u32 s10;
	p0 =	por !p0, !p0;
	_ =	swait.ge @!p1 [sflag:s15], $0x2000  }
0x1c: {  	s12 =	smov.u32 s9;
	[sflag:s15] =	ssyncset.done @!p1 $0x0;
	s9 =	smov.u32 s14  }
0x1d: {  	s11 =	sadd.s32 $0x1, s11;
	[sflag:s15] =	ssyncadd.s32 @!p1 $0xFFFFE000;
	s10 =	smov.u32 s16  }
.LBB1_1:
0x1e: {  	p1 =	sge.u32 s11, s5  }
0x1f: {  	s14 =	sand.u32 @!p1 $0x1FFFFFF, s9  }
0x20: {  	s15 =	smulhi.u32 @!p1 $0x147AE15, s14;
	_ =	sdelay $0x1  }
0x21: {  	s15 =	smul.u32 @!p1 $0xC8, s15  }
0x22: {  	s16 =	sxor.u32 @!p1 $0xFFFFFFFF, s11;
	s17 =	smul.u32 @!p1 $0xC80, s10  }
0x23: {  	s31 =	sadd.s32 $0xFFFFFFFF, s11;
	s16 =	sshll.u32 @!p1 s16, $0xD;
	s14 =	ssub.s32 @!p1 s14, s15  }
0x24: {  	s15 =	sand.u32 @!p1 $0x2000, s16;
	s16 =	sadd.s32 @!p1 s6, s17;
	s14 =	sshll.u32 @!p1 s14, $0x4  }
0x25: {  	s17 =	simm.s32 @!p1 $0x6400;
	s14 =	sadd.s32 @!p1 s14, s16;
	s16 =	simm.s32 @!p1 $0x40  }
0x26: {  	[tilespmem:s15], [sflag:$0x1] =	stream.strided.gather @!p1 [hbm4b:s14+s16], $0x2000, s17, s16, $0x38;
	[tilespmem:$0x8080] =	vst v63  }
0x27: {  	p1 =	sge.u32 s31, s5  }
.Ltmp2:
0x28: {  	_ = 	snop;
	(pc) =	sbr.rel @p1 .LBB1_5-.Ltmp2, $1  }
0x29: {  	_ =	sdelay $0x3  }
0x2a: {  	s14 =	simm.s32 $0x1  }
0x2b: {  	_ =	swait.ge [sflag:s4], $0x2000;
	s14 =	simm.s32 @!p0 $0x0  }
0x2c: {  	[sflag:s4] =	ssyncset.done $0x0;
	s15 =	sshll.u32 s14, $0xD  }
0x2d: {  	[sflag:s4] =	ssyncadd.s32 $0xFFFFE000;
	s18 =	sor.u32 $0x20, s15  }
0x2e: {  	s14 =	smul.u32 $0x8100, s14;
	v3 =	vld [tilespmem:s18+$0x10]  }
0x2f: {  	s30 =	sand.u32 $0x1, s11;
	v2 =	vld [tilespmem:s18+$0xFFFFFFF0]  }
0x30: {  	s15 =	smul.u32 $0x8100, s30;
	s14 =	sshrl.u32 s14, $0x2;
	v0 =	vld [tilespmem:s18+$0x0]  }
0x31: {  	v1 =	vld [tilespmem:s18+$0xFFFFFFE0];
	s16 =	sor.u32 $0x4000, s14  }
0x32: {  	s31 =	sshrl.u32 s15, $0x2;
	s15 =	sadd.s32 $0x0, s16  }
0x33: {  	s17 =	simm.s32 $0x4;
	s18 =	sadd.s32 $0x40, s18;
	s14 =	sor.u32 $0x4000, s31;
	[tilespmem:s15+$0x1830 ss:$0x81] =	vst.msk $0xffff, v3  }
.LBB1_3:
0x34: {  	v3 =	vld [tilespmem:s18+$0x10];
	p1 =	sne.s32 s17, $0x1FC;
	[tilespmem:s15+$0x810 ss:$0x81] =	vst.msk $0xffff, v2;
	s19 =	smov.u32 s17;
	s17 =	sadd.s32 $0x4, s17  }
.Ltmp3:
0x35: {  	v2 =	vld [tilespmem:s18+$0xFFFFFFF0];
	[tilespmem:s15+$0x1020 ss:$0x81] =	vst.msk $0xffff, v0;
	(pc) =	sbr.rel @p1 .LBB1_3-.Ltmp3, $4  }
0x36: {  	v0 =	vld [tilespmem:s18+$0x0];
	[tilespmem:s15+$0x0 ss:$0x81] =	vst.msk $0xffff, v1  }
0x37: {  	s15 =	sshra.s32 s19, $0x2;
	v1 =	vld [tilespmem:s18+$0xFFFFFFE0]  }
0x38: {  	s15 =	sadd.s32 s15, s16  }
0x39: {  	s18 =	sadd.s32 $0x40, s18;
	[tilespmem:s15+$0x1830 ss:$0x81] =	vst.msk $0xffff, v3  }
.Ltmp4:
0x3a: {  	_ = 	snop;
	(pc) =	sbr.rel .LBB1_4-.Ltmp4, $1  }
0x3b: {  	_ =	sdelay $0x3  }
.LBB1_6:
0x3c: {  	_ =	sfence.sel $0x180000  }
0x3d: {  	s2 =	simm.s32 $0x1;
	[bflag:$0x0] =	sbarrier.arrive $0xFFFF  }
0x3e: {  	s31 =	simm.s32 $0x2;
	[sflag:s2] =	ssyncpa.u1 $0x1  }
0x3f: {  	[sflag:s31] =	ssyncpa.u1 $0x1  }
0x40: {  	p0 =	sne.s32 s0, $0x0;
	_ =	strace $0x9000004A  }
0x41: {  	s0 =	sadd.s32 @!p0 $0x100000, s1;
	[bflag:$0x2] =	sbarrier.arrive $0xFFFF  }
0x42: {  	[sflag:s0] =	ssyncadd.tile.s32 @!p0 $0x1;
	_ =	shalt  }
.Lfunc_end1:
_tile_overlayer_lowered:
.L_overlay_start_2:
0x43: {  	(tag) =	ssettag $0x2  }
0x44: {  	s0 =	rddreg [dreg:$0x0];
	s2 =	stileid.u32  }
0x45: {  	s1 =	rddreg [dreg:$0x1];
	p0 =	sne.s32 s2, $0x0  }
0x46: {  	s3 =	rddreg [dreg:$0x2];
	[bflag:$0x3] =	sbarrier.arrive $0xFFFF;
	s2 =	simm.s32 @!p0 $0x1C01  }
0x47: {  	[timem:s3], [sflag:s2] =	dma.local @!p0 [hbm:s0], s1  }
0x48: {  	s0 =	simm.s32 @!p0 $0x1  }
0x49: {  	_ =	swait.ge @!p0 [sflag:s0], s1  }
0x4a: {  	s1 =	ssub.s32 @!p0 $0x0, s1;
	[sflag:s0] =	ssyncset.done @!p0 $0x0  }
0x4b: {  	[sflag:s0] =	ssyncadd.s32 @!p0 s1  }
0x4c: {  	[bflag:$0x3] =	sbarrier.arrive $0xFFFF  }
0x4d: {  	_ =	shalt  }

</sc_bundles>
